<compile_context>
chip_gen: v7x
topology: tpu7x:2x2x1
jax: 0.10.2.dev20260603
libtpu: 0.0.44.dev20260713+nightly
codegen_flags: <defaults>
</compile_context>

<pallas_src>
import functools

import jax
import jax.numpy as jnp
from jax import lax
from jax.experimental import pallas as pl
from jax.experimental.pallas import tpu as pltpu
from jax.experimental.pallas import tpu_sc as plsc

VOCAB = 100000
D = 128
BATCH = 4096
SEQ = 50
B_TOTAL = BATCH * SEQ

_info = plsc.get_sparse_core_info()
NC = _info.num_cores
NS = _info.num_subcores
NW = NC * NS
B_PER_W = B_TOTAL // NW
CHUNK = 128
N_CHUNKS = B_PER_W // CHUNK
NBUF = 7
K = 2
N_ROUNDS = -(-N_CHUNKS // NBUF)


def _gather_body(idx_hbm, table_hbm, out_hbm, idx_v, rows_v, gsems, wsems):
    wid = lax.axis_index("s") * NC + lax.axis_index("c")

    pltpu.sync_copy(idx_hbm.at[:, pl.ds(wid * CHUNK, CHUNK)], idx_v)

    for b in range(NBUF):
        pltpu.async_copy(table_hbm.at[idx_v.at[b]], rows_v.at[b], gsems.at[b])

    def wdesc(g, b):
        return pltpu.make_async_copy(
            rows_v.at[b],
            out_hbm.at[pl.ds(g * BATCH + wid * CHUNK, CHUNK)],
            wsems.at[b])

    def round_(rnd, carry):
        for b in range(NBUF):
            g = rnd * NBUF + b

            @pl.when(g < N_CHUNKS)
            def _():
                pltpu.make_async_copy(table_hbm.at[idx_v.at[g]], rows_v.at[b],
                                      gsems.at[b]).wait()
                pltpu.async_copy(
                    rows_v.at[b],
                    out_hbm.at[pl.ds(g * BATCH + wid * CHUNK, CHUNK)],
                    wsems.at[b])

            w = g - K
            bw = (b - K) % NBUF

            @pl.when((w >= 0) & (w + NBUF < N_CHUNKS))
            def _():
                wdesc(w, bw).wait()
                pltpu.async_copy(table_hbm.at[idx_v.at[w + NBUF]],
                                 rows_v.at[bw], gsems.at[bw])
        return carry

    lax.fori_loop(0, N_ROUNDS, round_, 0)

    for g in range(N_CHUNKS - NBUF, N_CHUNKS):
        wdesc(g, g % NBUF).wait()


@jax.jit
def _embed(indices_tmajor, weight):
    mesh = plsc.VectorSubcoreMesh(core_axis_name="c", subcore_axis_name="s")
    f = functools.partial(
        pl.kernel,
        out_type=jax.ShapeDtypeStruct((B_TOTAL, D), jnp.float32),
        mesh=mesh,
        scratch_types=[
            pltpu.VMEM((SEQ, CHUNK), jnp.int32),
            pltpu.VMEM((NBUF, CHUNK, D), jnp.float32),
            pltpu.SemaphoreType.DMA((NBUF,)),
            pltpu.SemaphoreType.DMA((NBUF,)),
        ],
    )(_gather_body)
    out2d = f(indices_tmajor, weight)
    return out2d.reshape(SEQ, BATCH, D).transpose(1, 0, 2)


def kernel(indices, weight):
    return _embed(indices.T, weight)

# --- scband reference (transcript-rebuilt; emitter-appended) ---
"""Pipeline reference for scband-token-embedding-26723286516250 (READ-ONLY COPY).

The authoritative reference and input builder live on the scoring server;
editing this copy changes nothing except your own understanding.
"""

import jax, jax.numpy as jnp
import numpy as np

VOCAB = 100000
D_MODEL = 128
PADDING_IDX = 1


def setup_inputs(seed: int = 0) -> dict:
    key = jax.random.key(seed)
    k_idx, k_w = jax.random.split(key)
    indices = jax.random.randint(k_idx, (4096, 50), 0, VOCAB, dtype=jnp.int32)
    weight = jax.random.normal(k_w, (VOCAB, D_MODEL), dtype=jnp.float32)
    # torch nn.Embedding with padding_idx initializes that row to zeros
    weight = weight.at[PADDING_IDX].set(0.0)
    return {"indices": indices, "weight": weight}


def reference(indices, weight):
    # TokenEmbedding forward == nn.Embedding lookup (padding_idx only affects
    # init/grad, not the gather itself)
    return jnp.take(weight, indices, axis=0)

if __name__ == "__main__":
    import jax
    _d = setup_inputs()
    print(jax.jit(kernel)(*tuple(_d.values())))

</pallas_src>

<mosaic_0001>
#map = affine_map<(d0, d1) -> (0, 0)>
module attributes {stable_mosaic.version = 14 : i64} {
  func.func @_gather_body(%arg0: i32, %arg1: i32, %arg2: memref<50x4096xi32, #tpu.memory_space<hbm>>, %arg3: memref<100000x128xf32, #tpu.memory_space<hbm>>, %arg4: memref<204800x128xf32, #tpu.memory_space<hbm>>, %arg5: memref<50x128xi32, #tpu.memory_space<vmem>>, %arg6: memref<7x128x128xf32, #tpu.memory_space<vmem>>, %arg7: memref<7x!tpu.dma_semaphore, #tpu.memory_space<semaphore_mem>>, %arg8: memref<7x!tpu.dma_semaphore, #tpu.memory_space<semaphore_mem>>) attributes {dimension_semantics = [#tpu.dimension_semantics<core_parallel>, #tpu.dimension_semantics<subcore_parallel>], iteration_bounds = array<i64: 2, 16>, scalar_prefetch = 0 : i64, scratch_operands = 4 : i64, tpu.core_type = #tpu.core_type<sc_vector_subcore>, window_params = [{transform_indices = #map}, {transform_indices = #map}, {transform_indices = #map}]} {
    %mul3A = arith.constant 2 : i32
    %mul3A_0 = arith.muli %arg1, %mul3A : i32
    %add3A = arith.addi %mul3A_0, %arg0 : i32
    %mul3A_1 = arith.constant 128 : i32
    %mul3A_2 = arith.muli %add3A, %mul3A_1 : i32
    "tpu.region"() ({
      %run_scoped3A = tpu.sem_alloc : memref<!tpu.dma_semaphore, #tpu.memory_space<semaphore_mem>>
      %dma_start3A_251 = arith.constant 0 : i32
      %dma_start3A_252 = tpu.memref_slice %arg2[%dma_start3A_251, %mul3A_2] : memref<50x4096xi32, #tpu.memory_space<hbm>> -> memref<50x128xi32, #tpu.memory_space<hbm>>
      %dma_start3A_253 = arith.constant 0 : i32
      %dma_start3A_254 = tpu.memref_slice %arg2[%dma_start3A_253, %mul3A_2] : memref<50x4096xi32, #tpu.memory_space<hbm>> -> memref<50x128xi32, #tpu.memory_space<hbm>>
      tpu.enqueue_dma source(%dma_start3A_254 : memref<50x128xi32, #tpu.memory_space<hbm>>) target(%arg5 : memref<50x128xi32, #tpu.memory_space<vmem>>) target_semaphore(%run_scoped3A : memref<!tpu.dma_semaphore, #tpu.memory_space<semaphore_mem>>)
      %dma_wait3A_255 = arith.constant 0 : i32
      %dma_wait3A_256 = tpu.memref_slice %arg2[%dma_wait3A_255, %mul3A_2] : memref<50x4096xi32, #tpu.memory_space<hbm>> -> memref<50x128xi32, #tpu.memory_space<hbm>>
      %dma_wait3A_257 = arith.constant 0 : i32
      %dma_wait3A_258 = tpu.memref_slice %arg2[%dma_wait3A_257, %mul3A_2] : memref<50x4096xi32, #tpu.memory_space<hbm>> -> memref<50x128xi32, #tpu.memory_space<hbm>>
      tpu.wait_dma2 semaphore(%run_scoped3A : memref<!tpu.dma_semaphore, #tpu.memory_space<semaphore_mem>>) src(%dma_wait3A_258 : memref<50x128xi32, #tpu.memory_space<hbm>>) dst(%arg5 : memref<50x128xi32, #tpu.memory_space<vmem>>)
      tpu.yield
    }) : () -> ()
    %dma_start3A = arith.constant 0 : i32
    %dma_start3A_3 = arith.constant 0 : i32
    %dma_start3A_4 = arith.constant 0 : i32
    %dma_start3A_5 = arith.constant 0 : i32
    %dma_start3A_6 = arith.constant 0 : i32
    %dma_start3A_7 = tpu.memref_slice %arg6[%dma_start3A_3, %dma_start3A_5, %dma_start3A_6] : memref<7x128x128xf32, #tpu.memory_space<vmem>> -> memref<1x128x128xf32, #tpu.memory_space<vmem>>
    %dma_start3A_8 = tpu.memref_squeeze %dma_start3A_7 : memref<1x128x128xf32, #tpu.memory_space<vmem>> -> memref<128x128xf32, #tpu.memory_space<vmem>>
    %dma_start3A_9 = arith.constant 0 : i32
    %dma_start3A_10 = tpu.memref_slice %arg5[%dma_start3A, %dma_start3A_9] : memref<50x128xi32, #tpu.memory_space<vmem>> -> memref<1x128xi32, #tpu.memory_space<vmem>>
    %dma_start3A_11 = tpu.memref_squeeze %dma_start3A_10 : memref<1x128xi32, #tpu.memory_space<vmem>> -> memref<128xi32, #tpu.memory_space<vmem>>
    %dma_start3A_12 = arith.constant 0 : i32
    %dma_start3A_13 = arith.constant 0 : i32
    %dma_start3A_14 = tpu.memref_slice %arg3[%dma_start3A_12, %dma_start3A_13] : memref<100000x128xf32, #tpu.memory_space<hbm>> -> memref<100000x128xf32, #tpu.memory_space<hbm>>
    %dma_start3A_15 = tpu.memref_slice %arg7[%dma_start3A_4] : memref<7x!tpu.dma_semaphore, #tpu.memory_space<semaphore_mem>> -> memref<1x!tpu.dma_semaphore, #tpu.memory_space<semaphore_mem>>
    %dma_start3A_16 = tpu.memref_squeeze %dma_start3A_15 : memref<1x!tpu.dma_semaphore, #tpu.memory_space<semaphore_mem>> -> memref<!tpu.dma_semaphore, #tpu.memory_space<semaphore_mem>>
    tpu.enqueue_indirect_dma source(%dma_start3A_14 : memref<100000x128xf32, #tpu.memory_space<hbm>>) target(%dma_start3A_8 : memref<128x128xf32, #tpu.memory_space<vmem>>) offsets(%dma_start3A_11 : memref<128xi32, #tpu.memory_space<vmem>>) semaphore(%dma_start3A_16 : memref<!tpu.dma_semaphore, #tpu.memory_space<semaphore_mem>>)
    %dma_start3A_17 = arith.constant 1 : i32
    %dma_start3A_18 = arith.constant 1 : i32
    %dma_start3A_19 = arith.constant 1 : i32
    %dma_start3A_20 = arith.constant 0 : i32
    %dma_start3A_21 = arith.constant 0 : i32
    %dma_start3A_22 = tpu.memref_slice %arg6[%dma_start3A_18, %dma_start3A_20, %dma_start3A_21] : memref<7x128x128xf32, #tpu.memory_space<vmem>> -> memref<1x128x128xf32, #tpu.memory_space<vmem>>
    %dma_start3A_23 = tpu.memref_squeeze %dma_start3A_22 : memref<1x128x128xf32, #tpu.memory_space<vmem>> -> memref<128x128xf32, #tpu.memory_space<vmem>>
    %dma_start3A_24 = arith.constant 0 : i32
    %dma_start3A_25 = tpu.memref_slice %arg5[%dma_start3A_17, %dma_start3A_24] : memref<50x128xi32, #tpu.memory_space<vmem>> -> memref<1x128xi32, #tpu.memory_space<vmem>>
    %dma_start3A_26 = tpu.memref_squeeze %dma_start3A_25 : memref<1x128xi32, #tpu.memory_space<vmem>> -> memref<128xi32, #tpu.memory_space<vmem>>
    %dma_start3A_27 = arith.constant 0 : i32
    %dma_start3A_28 = arith.constant 0 : i32
    %dma_start3A_29 = tpu.memref_slice %arg3[%dma_start3A_27, %dma_start3A_28] : memref<100000x128xf32, #tpu.memory_space<hbm>> -> memref<100000x128xf32, #tpu.memory_space<hbm>>
    %dma_start3A_30 = tpu.memref_slice %arg7[%dma_start3A_19] : memref<7x!tpu.dma_semaphore, #tpu.memory_space<semaphore_mem>> -> memref<1x!tpu.dma_semaphore, #tpu.memory_space<semaphore_mem>>
    %dma_start3A_31 = tpu.memref_squeeze %dma_start3A_30 : memref<1x!tpu.dma_semaphore, #tpu.memory_space<semaphore_mem>> -> memref<!tpu.dma_semaphore, #tpu.memory_space<semaphore_mem>>
    tpu.enqueue_indirect_dma source(%dma_start3A_29 : memref<100000x128xf32, #tpu.memory_space<hbm>>) target(%dma_start3A_23 : memref<128x128xf32, #tpu.memory_space<vmem>>) offsets(%dma_start3A_26 : memref<128xi32, #tpu.memory_space<vmem>>) semaphore(%dma_start3A_31 : memref<!tpu.dma_semaphore, #tpu.memory_space<semaphore_mem>>)
    %dma_start3A_32 = arith.constant 2 : i32
    %dma_start3A_33 = arith.constant 2 : i32
    %dma_start3A_34 = arith.constant 2 : i32
    %dma_start3A_35 = arith.constant 0 : i32
    %dma_start3A_36 = arith.constant 0 : i32
    %dma_start3A_37 = tpu.memref_slice %arg6[%dma_start3A_33, %dma_start3A_35, %dma_start3A_36] : memref<7x128x128xf32, #tpu.memory_space<vmem>> -> memref<1x128x128xf32, #tpu.memory_space<vmem>>
    %dma_start3A_38 = tpu.memref_squeeze %dma_start3A_37 : memref<1x128x128xf32, #tpu.memory_space<vmem>> -> memref<128x128xf32, #tpu.memory_space<vmem>>
    %dma_start3A_39 = arith.constant 0 : i32
    %dma_start3A_40 = tpu.memref_slice %arg5[%dma_start3A_32, %dma_start3A_39] : memref<50x128xi32, #tpu.memory_space<vmem>> -> memref<1x128xi32, #tpu.memory_space<vmem>>
    %dma_start3A_41 = tpu.memref_squeeze %dma_start3A_40 : memref<1x128xi32, #tpu.memory_space<vmem>> -> memref<128xi32, #tpu.memory_space<vmem>>
    %dma_start3A_42 = arith.constant 0 : i32
    %dma_start3A_43 = arith.constant 0 : i32
    %dma_start3A_44 = tpu.memref_slice %arg3[%dma_start3A_42, %dma_start3A_43] : memref<100000x128xf32, #tpu.memory_space<hbm>> -> memref<100000x128xf32, #tpu.memory_space<hbm>>
    %dma_start3A_45 = tpu.memref_slice %arg7[%dma_start3A_34] : memref<7x!tpu.dma_semaphore, #tpu.memory_space<semaphore_mem>> -> memref<1x!tpu.dma_semaphore, #tpu.memory_space<semaphore_mem>>
    %dma_start3A_46 = tpu.memref_squeeze %dma_start3A_45 : memref<1x!tpu.dma_semaphore, #tpu.memory_space<semaphore_mem>> -> memref<!tpu.dma_semaphore, #tpu.memory_space<semaphore_mem>>
    tpu.enqueue_indirect_dma source(%dma_start3A_44 : memref<100000x128xf32, #tpu.memory_space<hbm>>) target(%dma_start3A_38 : memref<128x128xf32, #tpu.memory_space<vmem>>) offsets(%dma_start3A_41 : memref<128xi32, #tpu.memory_space<vmem>>) semaphore(%dma_start3A_46 : memref<!tpu.dma_semaphore, #tpu.memory_space<semaphore_mem>>)
    %dma_start3A_47 = arith.constant 3 : i32
    %dma_start3A_48 = arith.constant 3 : i32
    %dma_start3A_49 = arith.constant 3 : i32
    %dma_start3A_50 = arith.constant 0 : i32
    %dma_start3A_51 = arith.constant 0 : i32
    %dma_start3A_52 = tpu.memref_slice %arg6[%dma_start3A_48, %dma_start3A_50, %dma_start3A_51] : memref<7x128x128xf32, #tpu.memory_space<vmem>> -> memref<1x128x128xf32, #tpu.memory_space<vmem>>
    %dma_start3A_53 = tpu.memref_squeeze %dma_start3A_52 : memref<1x128x128xf32, #tpu.memory_space<vmem>> -> memref<128x128xf32, #tpu.memory_space<vmem>>
    %dma_start3A_54 = arith.constant 0 : i32
    %dma_start3A_55 = tpu.memref_slice %arg5[%dma_start3A_47, %dma_start3A_54] : memref<50x128xi32, #tpu.memory_space<vmem>> -> memref<1x128xi32, #tpu.memory_space<vmem>>
    %dma_start3A_56 = tpu.memref_squeeze %dma_start3A_55 : memref<1x128xi32, #tpu.memory_space<vmem>> -> memref<128xi32, #tpu.memory_space<vmem>>
    %dma_start3A_57 = arith.constant 0 : i32
    %dma_start3A_58 = arith.constant 0 : i32
    %dma_start3A_59 = tpu.memref_slice %arg3[%dma_start3A_57, %dma_start3A_58] : memref<100000x128xf32, #tpu.memory_space<hbm>> -> memref<100000x128xf32, #tpu.memory_space<hbm>>
    %dma_start3A_60 = tpu.memref_slice %arg7[%dma_start3A_49] : memref<7x!tpu.dma_semaphore, #tpu.memory_space<semaphore_mem>> -> memref<1x!tpu.dma_semaphore, #tpu.memory_space<semaphore_mem>>
    %dma_start3A_61 = tpu.memref_squeeze %dma_start3A_60 : memref<1x!tpu.dma_semaphore, #tpu.memory_space<semaphore_mem>> -> memref<!tpu.dma_semaphore, #tpu.memory_space<semaphore_mem>>
    tpu.enqueue_indirect_dma source(%dma_start3A_59 : memref<100000x128xf32, #tpu.memory_space<hbm>>) target(%dma_start3A_53 : memref<128x128xf32, #tpu.memory_space<vmem>>) offsets(%dma_start3A_56 : memref<128xi32, #tpu.memory_space<vmem>>) semaphore(%dma_start3A_61 : memref<!tpu.dma_semaphore, #tpu.memory_space<semaphore_mem>>)
    %dma_start3A_62 = arith.constant 4 : i32
    %dma_start3A_63 = arith.constant 4 : i32
    %dma_start3A_64 = arith.constant 4 : i32
    %dma_start3A_65 = arith.constant 0 : i32
    %dma_start3A_66 = arith.constant 0 : i32
    %dma_start3A_67 = tpu.memref_slice %arg6[%dma_start3A_63, %dma_start3A_65, %dma_start3A_66] : memref<7x128x128xf32, #tpu.memory_space<vmem>> -> memref<1x128x128xf32, #tpu.memory_space<vmem>>
    %dma_start3A_68 = tpu.memref_squeeze %dma_start3A_67 : memref<1x128x128xf32, #tpu.memory_space<vmem>> -> memref<128x128xf32, #tpu.memory_space<vmem>>
    %dma_start3A_69 = arith.constant 0 : i32
    %dma_start3A_70 = tpu.memref_slice %arg5[%dma_start3A_62, %dma_start3A_69] : memref<50x128xi32, #tpu.memory_space<vmem>> -> memref<1x128xi32, #tpu.memory_space<vmem>>
    %dma_start3A_71 = tpu.memref_squeeze %dma_start3A_70 : memref<1x128xi32, #tpu.memory_space<vmem>> -> memref<128xi32, #tpu.memory_space<vmem>>
    %dma_start3A_72 = arith.constant 0 : i32
    %dma_start3A_73 = arith.constant 0 : i32
    %dma_start3A_74 = tpu.memref_slice %arg3[%dma_start3A_72, %dma_start3A_73] : memref<100000x128xf32, #tpu.memory_space<hbm>> -> memref<100000x128xf32, #tpu.memory_space<hbm>>
    %dma_start3A_75 = tpu.memref_slice %arg7[%dma_start3A_64] : memref<7x!tpu.dma_semaphore, #tpu.memory_space<semaphore_mem>> -> memref<1x!tpu.dma_semaphore, #tpu.memory_space<semaphore_mem>>
    %dma_start3A_76 = tpu.memref_squeeze %dma_start3A_75 : memref<1x!tpu.dma_semaphore, #tpu.memory_space<semaphore_mem>> -> memref<!tpu.dma_semaphore, #tpu.memory_space<semaphore_mem>>
    tpu.enqueue_indirect_dma source(%dma_start3A_74 : memref<100000x128xf32, #tpu.memory_space<hbm>>) target(%dma_start3A_68 : memref<128x128xf32, #tpu.memory_space<vmem>>) offsets(%dma_start3A_71 : memref<128xi32, #tpu.memory_space<vmem>>) semaphore(%dma_start3A_76 : memref<!tpu.dma_semaphore, #tpu.memory_space<semaphore_mem>>)
    %dma_start3A_77 = arith.constant 5 : i32
    %dma_start3A_78 = arith.constant 5 : i32
    %dma_start3A_79 = arith.constant 5 : i32
    %dma_start3A_80 = arith.constant 0 : i32
    %dma_start3A_81 = arith.constant 0 : i32
    %dma_start3A_82 = tpu.memref_slice %arg6[%dma_start3A_78, %dma_start3A_80, %dma_start3A_81] : memref<7x128x128xf32, #tpu.memory_space<vmem>> -> memref<1x128x128xf32, #tpu.memory_space<vmem>>
    %dma_start3A_83 = tpu.memref_squeeze %dma_start3A_82 : memref<1x128x128xf32, #tpu.memory_space<vmem>> -> memref<128x128xf32, #tpu.memory_space<vmem>>
    %dma_start3A_84 = arith.constant 0 : i32
    %dma_start3A_85 = tpu.memref_slice %arg5[%dma_start3A_77, %dma_start3A_84] : memref<50x128xi32, #tpu.memory_space<vmem>> -> memref<1x128xi32, #tpu.memory_space<vmem>>
    %dma_start3A_86 = tpu.memref_squeeze %dma_start3A_85 : memref<1x128xi32, #tpu.memory_space<vmem>> -> memref<128xi32, #tpu.memory_space<vmem>>
    %dma_start3A_87 = arith.constant 0 : i32
    %dma_start3A_88 = arith.constant 0 : i32
    %dma_start3A_89 = tpu.memref_slice %arg3[%dma_start3A_87, %dma_start3A_88] : memref<100000x128xf32, #tpu.memory_space<hbm>> -> memref<100000x128xf32, #tpu.memory_space<hbm>>
    %dma_start3A_90 = tpu.memref_slice %arg7[%dma_start3A_79] : memref<7x!tpu.dma_semaphore, #tpu.memory_space<semaphore_mem>> -> memref<1x!tpu.dma_semaphore, #tpu.memory_space<semaphore_mem>>
    %dma_start3A_91 = tpu.memref_squeeze %dma_start3A_90 : memref<1x!tpu.dma_semaphore, #tpu.memory_space<semaphore_mem>> -> memref<!tpu.dma_semaphore, #tpu.memory_space<semaphore_mem>>
    tpu.enqueue_indirect_dma source(%dma_start3A_89 : memref<100000x128xf32, #tpu.memory_space<hbm>>) target(%dma_start3A_83 : memref<128x128xf32, #tpu.memory_space<vmem>>) offsets(%dma_start3A_86 : memref<128xi32, #tpu.memory_space<vmem>>) semaphore(%dma_start3A_91 : memref<!tpu.dma_semaphore, #tpu.memory_space<semaphore_mem>>)
    %dma_start3A_92 = arith.constant 6 : i32
    %dma_start3A_93 = arith.constant 6 : i32
    %dma_start3A_94 = arith.constant 6 : i32
    %dma_start3A_95 = arith.constant 0 : i32
    %dma_start3A_96 = arith.constant 0 : i32
    %dma_start3A_97 = tpu.memref_slice %arg6[%dma_start3A_93, %dma_start3A_95, %dma_start3A_96] : memref<7x128x128xf32, #tpu.memory_space<vmem>> -> memref<1x128x128xf32, #tpu.memory_space<vmem>>
    %dma_start3A_98 = tpu.memref_squeeze %dma_start3A_97 : memref<1x128x128xf32, #tpu.memory_space<vmem>> -> memref<128x128xf32, #tpu.memory_space<vmem>>
    %dma_start3A_99 = arith.constant 0 : i32
    %dma_start3A_100 = tpu.memref_slice %arg5[%dma_start3A_92, %dma_start3A_99] : memref<50x128xi32, #tpu.memory_space<vmem>> -> memref<1x128xi32, #tpu.memory_space<vmem>>
    %dma_start3A_101 = tpu.memref_squeeze %dma_start3A_100 : memref<1x128xi32, #tpu.memory_space<vmem>> -> memref<128xi32, #tpu.memory_space<vmem>>
    %dma_start3A_102 = arith.constant 0 : i32
    %dma_start3A_103 = arith.constant 0 : i32
    %dma_start3A_104 = tpu.memref_slice %arg3[%dma_start3A_102, %dma_start3A_103] : memref<100000x128xf32, #tpu.memory_space<hbm>> -> memref<100000x128xf32, #tpu.memory_space<hbm>>
    %dma_start3A_105 = tpu.memref_slice %arg7[%dma_start3A_94] : memref<7x!tpu.dma_semaphore, #tpu.memory_space<semaphore_mem>> -> memref<1x!tpu.dma_semaphore, #tpu.memory_space<semaphore_mem>>
    %dma_start3A_106 = tpu.memref_squeeze %dma_start3A_105 : memref<1x!tpu.dma_semaphore, #tpu.memory_space<semaphore_mem>> -> memref<!tpu.dma_semaphore, #tpu.memory_space<semaphore_mem>>
    tpu.enqueue_indirect_dma source(%dma_start3A_104 : memref<100000x128xf32, #tpu.memory_space<hbm>>) target(%dma_start3A_98 : memref<128x128xf32, #tpu.memory_space<vmem>>) offsets(%dma_start3A_101 : memref<128xi32, #tpu.memory_space<vmem>>) semaphore(%dma_start3A_106 : memref<!tpu.dma_semaphore, #tpu.memory_space<semaphore_mem>>)
    %scan3A = arith.constant 0 : i32
    %scan3A_107 = arith.constant 0 : i32
    %scan3A_108 = arith.constant 8 : i32
    %scan3A_109 = arith.addi %scan3A_107, %scan3A_108 : i32
    %scan3A_110 = arith.constant 1 : i32
    scf.for %scan3A_251 = %scan3A_107 to %scan3A_109 step %scan3A_110  : i32 {
      %mul3A_252 = arith.constant 7 : i32
      %mul3A_253 = arith.muli %scan3A_251, %mul3A_252 : i32
      %add3A_254 = arith.constant 0 : i32
      %add3A_255 = arith.addi %mul3A_253, %add3A_254 : i32
      %lt3A = arith.constant 50 : i32
      %lt3A_256 = arith.cmpi slt, %add3A_255, %lt3A : i32
      %convert_element_type3A = arith.extui %lt3A_256 : i1 to i32
      %cond3A = arith.constant 0 : i32
      %cond3A_257 = arith.cmpi ne, %convert_element_type3A, %cond3A : i32
      scf.if %cond3A_257 {
        %dma_wait3A_393 = arith.constant 0 : i32
        %dma_wait3A_394 = arith.constant 0 : i32
        %dma_wait3A_395 = arith.constant 0 : i32
        %dma_wait3A_396 = arith.constant 0 : i32
        %dma_wait3A_397 = tpu.memref_slice %arg6[%dma_wait3A_393, %dma_wait3A_395, %dma_wait3A_396] : memref<7x128x128xf32, #tpu.memory_space<vmem>> -> memref<1x128x128xf32, #tpu.memory_space<vmem>>
        %dma_wait3A_398 = tpu.memref_squeeze %dma_wait3A_397 : memref<1x128x128xf32, #tpu.memory_space<vmem>> -> memref<128x128xf32, #tpu.memory_space<vmem>>
        %dma_wait3A_399 = arith.constant 0 : i32
        %dma_wait3A_400 = tpu.memref_slice %arg5[%add3A_255, %dma_wait3A_399] : memref<50x128xi32, #tpu.memory_space<vmem>> -> memref<1x128xi32, #tpu.memory_space<vmem>>
        %dma_wait3A_401 = tpu.memref_squeeze %dma_wait3A_400 : memref<1x128xi32, #tpu.memory_space<vmem>> -> memref<128xi32, #tpu.memory_space<vmem>>
        %dma_wait3A_402 = arith.constant 0 : i32
        %dma_wait3A_403 = arith.constant 0 : i32
        %dma_wait3A_404 = tpu.memref_slice %arg3[%dma_wait3A_402, %dma_wait3A_403] : memref<100000x128xf32, #tpu.memory_space<hbm>> -> memref<100000x128xf32, #tpu.memory_space<hbm>>
        %dma_wait3A_405 = tpu.memref_slice %arg7[%dma_wait3A_394] : memref<7x!tpu.dma_semaphore, #tpu.memory_space<semaphore_mem>> -> memref<1x!tpu.dma_semaphore, #tpu.memory_space<semaphore_mem>>
        %dma_wait3A_406 = tpu.memref_squeeze %dma_wait3A_405 : memref<1x!tpu.dma_semaphore, #tpu.memory_space<semaphore_mem>> -> memref<!tpu.dma_semaphore, #tpu.memory_space<semaphore_mem>>
        tpu.wait_indirect_dma semaphore(%dma_wait3A_406 : memref<!tpu.dma_semaphore, #tpu.memory_space<semaphore_mem>>) src(%dma_wait3A_404 : memref<100000x128xf32, #tpu.memory_space<hbm>>) dst(%dma_wait3A_398 : memref<128x128xf32, #tpu.memory_space<vmem>>)
        %mul3A_407 = arith.constant 4096 : i32
        %mul3A_408 = arith.muli %add3A_255, %mul3A_407 : i32
        %mul3A_409 = arith.constant 128 : i32
        %mul3A_410 = arith.muli %add3A, %mul3A_409 : i32
        %add3A_411 = arith.addi %mul3A_408, %mul3A_410 : i32
        %dma_start3A_412 = arith.constant 0 : i32
        %dma_start3A_413 = arith.constant 0 : i32
        %dma_start3A_414 = arith.constant 0 : i32
        %dma_start3A_415 = arith.constant 0 : i32
        %dma_start3A_416 = tpu.memref_slice %arg6[%dma_start3A_412, %dma_start3A_414, %dma_start3A_415] : memref<7x128x128xf32, #tpu.memory_space<vmem>> -> memref<1x128x128xf32, #tpu.memory_space<vmem>>
        %dma_start3A_417 = tpu.memref_squeeze %dma_start3A_416 : memref<1x128x128xf32, #tpu.memory_space<vmem>> -> memref<128x128xf32, #tpu.memory_space<vmem>>
        %dma_start3A_418 = arith.constant 0 : i32
        %dma_start3A_419 = tpu.memref_slice %arg4[%add3A_411, %dma_start3A_418] : memref<204800x128xf32, #tpu.memory_space<hbm>> -> memref<128x128xf32, #tpu.memory_space<hbm>>
        %dma_start3A_420 = tpu.memref_slice %arg8[%dma_start3A_413] : memref<7x!tpu.dma_semaphore, #tpu.memory_space<semaphore_mem>> -> memref<1x!tpu.dma_semaphore, #tpu.memory_space<semaphore_mem>>
        %dma_start3A_421 = tpu.memref_squeeze %dma_start3A_420 : memref<1x!tpu.dma_semaphore, #tpu.memory_space<semaphore_mem>> -> memref<!tpu.dma_semaphore, #tpu.memory_space<semaphore_mem>>
        %dma_start3A_422 = arith.constant 0 : i32
        %dma_start3A_423 = tpu.memref_slice %arg4[%add3A_411, %dma_start3A_422] : memref<204800x128xf32, #tpu.memory_space<hbm>> -> memref<128x128xf32, #tpu.memory_space<hbm>>
        %dma_start3A_424 = arith.constant 0 : i32
        %dma_start3A_425 = arith.constant 0 : i32
        %dma_start3A_426 = tpu.memref_slice %arg6[%dma_start3A_412, %dma_start3A_424, %dma_start3A_425] : memref<7x128x128xf32, #tpu.memory_space<vmem>> -> memref<1x128x128xf32, #tpu.memory_space<vmem>>
        %dma_start3A_427 = tpu.memref_squeeze %dma_start3A_426 : memref<1x128x128xf32, #tpu.memory_space<vmem>> -> memref<128x128xf32, #tpu.memory_space<vmem>>
        tpu.enqueue_dma source(%dma_start3A_427 : memref<128x128xf32, #tpu.memory_space<vmem>>) target(%dma_start3A_423 : memref<128x128xf32, #tpu.memory_space<hbm>>) target_semaphore(%dma_start3A_421 : memref<!tpu.dma_semaphore, #tpu.memory_space<semaphore_mem>>)
      } else {
      }
      %sub3A = arith.constant 2 : i32
      %sub3A_258 = arith.subi %add3A_255, %sub3A : i32
      %ge3A = arith.constant 0 : i32
      %ge3A_259 = arith.cmpi sge, %sub3A_258, %ge3A : i32
      %add3A_260 = arith.constant 7 : i32
      %add3A_261 = arith.addi %sub3A_258, %add3A_260 : i32
      %lt3A_262 = arith.constant 50 : i32
      %lt3A_263 = arith.cmpi slt, %add3A_261, %lt3A_262 : i32
      %and3A = arith.andi %ge3A_259, %lt3A_263 : i1
      %convert_element_type3A_264 = arith.extui %and3A : i1 to i32
      %cond3A_265 = arith.constant 0 : i32
      %cond3A_266 = arith.cmpi ne, %convert_element_type3A_264, %cond3A_265 : i32
      scf.if %cond3A_266 {
        %mul3A_393 = arith.constant 4096 : i32
        %mul3A_394 = arith.muli %sub3A_258, %mul3A_393 : i32
        %mul3A_395 = arith.constant 128 : i32
        %mul3A_396 = arith.muli %add3A, %mul3A_395 : i32
        %add3A_397 = arith.addi %mul3A_394, %mul3A_396 : i32
        %dma_wait3A_398 = arith.constant 5 : i32
        %dma_wait3A_399 = arith.constant 5 : i32
        %dma_wait3A_400 = arith.constant 0 : i32
        %dma_wait3A_401 = arith.constant 0 : i32
        %dma_wait3A_402 = tpu.memref_slice %arg6[%dma_wait3A_398, %dma_wait3A_400, %dma_wait3A_401] : memref<7x128x128xf32, #tpu.memory_space<vmem>> -> memref<1x128x128xf32, #tpu.memory_space<vmem>>
        %dma_wait3A_403 = tpu.memref_squeeze %dma_wait3A_402 : memref<1x128x128xf32, #tpu.memory_space<vmem>> -> memref<128x128xf32, #tpu.memory_space<vmem>>
        %dma_wait3A_404 = arith.constant 0 : i32
        %dma_wait3A_405 = tpu.memref_slice %arg4[%add3A_397, %dma_wait3A_404] : memref<204800x128xf32, #tpu.memory_space<hbm>> -> memref<128x128xf32, #tpu.memory_space<hbm>>
        %dma_wait3A_406 = tpu.memref_slice %arg8[%dma_wait3A_399] : memref<7x!tpu.dma_semaphore, #tpu.memory_space<semaphore_mem>> -> memref<1x!tpu.dma_semaphore, #tpu.memory_space<semaphore_mem>>
        %dma_wait3A_407 = tpu.memref_squeeze %dma_wait3A_406 : memref<1x!tpu.dma_semaphore, #tpu.memory_space<semaphore_mem>> -> memref<!tpu.dma_semaphore, #tpu.memory_space<semaphore_mem>>
        %dma_wait3A_408 = arith.constant 0 : i32
        %dma_wait3A_409 = tpu.memref_slice %arg4[%add3A_397, %dma_wait3A_408] : memref<204800x128xf32, #tpu.memory_space<hbm>> -> memref<128x128xf32, #tpu.memory_space<hbm>>
        %dma_wait3A_410 = arith.constant 0 : i32
        %dma_wait3A_411 = arith.constant 0 : i32
        %dma_wait3A_412 = tpu.memref_slice %arg6[%dma_wait3A_398, %dma_wait3A_410, %dma_wait3A_411] : memref<7x128x128xf32, #tpu.memory_space<vmem>> -> memref<1x128x128xf32, #tpu.memory_space<vmem>>
        %dma_wait3A_413 = tpu.memref_squeeze %dma_wait3A_412 : memref<1x128x128xf32, #tpu.memory_space<vmem>> -> memref<128x128xf32, #tpu.memory_space<vmem>>
        tpu.wait_dma2 semaphore(%dma_wait3A_407 : memref<!tpu.dma_semaphore, #tpu.memory_space<semaphore_mem>>) src(%dma_wait3A_413 : memref<128x128xf32, #tpu.memory_space<vmem>>) dst(%dma_wait3A_409 : memref<128x128xf32, #tpu.memory_space<hbm>>)
        %add3A_414 = arith.constant 7 : i32
        %add3A_415 = arith.addi %sub3A_258, %add3A_414 : i32
        %dma_start3A_416 = arith.constant 5 : i32
        %dma_start3A_417 = arith.constant 5 : i32
        %dma_start3A_418 = arith.constant 0 : i32
        %dma_start3A_419 = arith.constant 0 : i32
        %dma_start3A_420 = tpu.memref_slice %arg6[%dma_start3A_416, %dma_start3A_418, %dma_start3A_419] : memref<7x128x128xf32, #tpu.memory_space<vmem>> -> memref<1x128x128xf32, #tpu.memory_space<vmem>>
        %dma_start3A_421 = tpu.memref_squeeze %dma_start3A_420 : memref<1x128x128xf32, #tpu.memory_space<vmem>> -> memref<128x128xf32, #tpu.memory_space<vmem>>
        %dma_start3A_422 = arith.constant 0 : i32
        %dma_start3A_423 = tpu.memref_slice %arg5[%add3A_415, %dma_start3A_422] : memref<50x128xi32, #tpu.memory_space<vmem>> -> memref<1x128xi32, #tpu.memory_space<vmem>>
        %dma_start3A_424 = tpu.memref_squeeze %dma_start3A_423 : memref<1x128xi32, #tpu.memory_space<vmem>> -> memref<128xi32, #tpu.memory_space<vmem>>
        %dma_start3A_425 = arith.constant 0 : i32
        %dma_start3A_426 = arith.constant 0 : i32
        %dma_start3A_427 = tpu.memref_slice %arg3[%dma_start3A_425, %dma_start3A_426] : memref<100000x128xf32, #tpu.memory_space<hbm>> -> memref<100000x128xf32, #tpu.memory_space<hbm>>
        %dma_start3A_428 = tpu.memref_slice %arg7[%dma_start3A_417] : memref<7x!tpu.dma_semaphore, #tpu.memory_space<semaphore_mem>> -> memref<1x!tpu.dma_semaphore, #tpu.memory_space<semaphore_mem>>
        %dma_start3A_429 = tpu.memref_squeeze %dma_start3A_428 : memref<1x!tpu.dma_semaphore, #tpu.memory_space<semaphore_mem>> -> memref<!tpu.dma_semaphore, #tpu.memory_space<semaphore_mem>>
        tpu.enqueue_indirect_dma source(%dma_start3A_427 : memref<100000x128xf32, #tpu.memory_space<hbm>>) target(%dma_start3A_421 : memref<128x128xf32, #tpu.memory_space<vmem>>) offsets(%dma_start3A_424 : memref<128xi32, #tpu.memory_space<vmem>>) semaphore(%dma_start3A_429 : memref<!tpu.dma_semaphore, #tpu.memory_space<semaphore_mem>>)
      } else {
      }
      %mul3A_267 = arith.constant 7 : i32
      %mul3A_268 = arith.muli %scan3A_251, %mul3A_267 : i32
      %add3A_269 = arith.constant 1 : i32
      %add3A_270 = arith.addi %mul3A_268, %add3A_269 : i32
      %lt3A_271 = arith.constant 50 : i32
      %lt3A_272 = arith.cmpi slt, %add3A_270, %lt3A_271 : i32
      %convert_element_type3A_273 = arith.extui %lt3A_272 : i1 to i32
      %cond3A_274 = arith.constant 0 : i32
      %cond3A_275 = arith.cmpi ne, %convert_element_type3A_273, %cond3A_274 : i32
      scf.if %cond3A_275 {
        %dma_wait3A_393 = arith.constant 1 : i32
        %dma_wait3A_394 = arith.constant 1 : i32
        %dma_wait3A_395 = arith.constant 0 : i32
        %dma_wait3A_396 = arith.constant 0 : i32
        %dma_wait3A_397 = tpu.memref_slice %arg6[%dma_wait3A_393, %dma_wait3A_395, %dma_wait3A_396] : memref<7x128x128xf32, #tpu.memory_space<vmem>> -> memref<1x128x128xf32, #tpu.memory_space<vmem>>
        %dma_wait3A_398 = tpu.memref_squeeze %dma_wait3A_397 : memref<1x128x128xf32, #tpu.memory_space<vmem>> -> memref<128x128xf32, #tpu.memory_space<vmem>>
        %dma_wait3A_399 = arith.constant 0 : i32
        %dma_wait3A_400 = tpu.memref_slice %arg5[%add3A_270, %dma_wait3A_399] : memref<50x128xi32, #tpu.memory_space<vmem>> -> memref<1x128xi32, #tpu.memory_space<vmem>>
        %dma_wait3A_401 = tpu.memref_squeeze %dma_wait3A_400 : memref<1x128xi32, #tpu.memory_space<vmem>> -> memref<128xi32, #tpu.memory_space<vmem>>
        %dma_wait3A_402 = arith.constant 0 : i32
        %dma_wait3A_403 = arith.constant 0 : i32
        %dma_wait3A_404 = tpu.memref_slice %arg3[%dma_wait3A_402, %dma_wait3A_403] : memref<100000x128xf32, #tpu.memory_space<hbm>> -> memref<100000x128xf32, #tpu.memory_space<hbm>>
        %dma_wait3A_405 = tpu.memref_slice %arg7[%dma_wait3A_394] : memref<7x!tpu.dma_semaphore, #tpu.memory_space<semaphore_mem>> -> memref<1x!tpu.dma_semaphore, #tpu.memory_space<semaphore_mem>>
        %dma_wait3A_406 = tpu.memref_squeeze %dma_wait3A_405 : memref<1x!tpu.dma_semaphore, #tpu.memory_space<semaphore_mem>> -> memref<!tpu.dma_semaphore, #tpu.memory_space<semaphore_mem>>
        tpu.wait_indirect_dma semaphore(%dma_wait3A_406 : memref<!tpu.dma_semaphore, #tpu.memory_space<semaphore_mem>>) src(%dma_wait3A_404 : memref<100000x128xf32, #tpu.memory_space<hbm>>) dst(%dma_wait3A_398 : memref<128x128xf32, #tpu.memory_space<vmem>>)
        %mul3A_407 = arith.constant 4096 : i32
        %mul3A_408 = arith.muli %add3A_270, %mul3A_407 : i32
        %mul3A_409 = arith.constant 128 : i32
        %mul3A_410 = arith.muli %add3A, %mul3A_409 : i32
        %add3A_411 = arith.addi %mul3A_408, %mul3A_410 : i32
        %dma_start3A_412 = arith.constant 1 : i32
        %dma_start3A_413 = arith.constant 1 : i32
        %dma_start3A_414 = arith.constant 0 : i32
        %dma_start3A_415 = arith.constant 0 : i32
        %dma_start3A_416 = tpu.memref_slice %arg6[%dma_start3A_412, %dma_start3A_414, %dma_start3A_415] : memref<7x128x128xf32, #tpu.memory_space<vmem>> -> memref<1x128x128xf32, #tpu.memory_space<vmem>>
        %dma_start3A_417 = tpu.memref_squeeze %dma_start3A_416 : memref<1x128x128xf32, #tpu.memory_space<vmem>> -> memref<128x128xf32, #tpu.memory_space<vmem>>
        %dma_start3A_418 = arith.constant 0 : i32
        %dma_start3A_419 = tpu.memref_slice %arg4[%add3A_411, %dma_start3A_418] : memref<204800x128xf32, #tpu.memory_space<hbm>> -> memref<128x128xf32, #tpu.memory_space<hbm>>
        %dma_start3A_420 = tpu.memref_slice %arg8[%dma_start3A_413] : memref<7x!tpu.dma_semaphore, #tpu.memory_space<semaphore_mem>> -> memref<1x!tpu.dma_semaphore, #tpu.memory_space<semaphore_mem>>
        %dma_start3A_421 = tpu.memref_squeeze %dma_start3A_420 : memref<1x!tpu.dma_semaphore, #tpu.memory_space<semaphore_mem>> -> memref<!tpu.dma_semaphore, #tpu.memory_space<semaphore_mem>>
        %dma_start3A_422 = arith.constant 0 : i32
        %dma_start3A_423 = tpu.memref_slice %arg4[%add3A_411, %dma_start3A_422] : memref<204800x128xf32, #tpu.memory_space<hbm>> -> memref<128x128xf32, #tpu.memory_space<hbm>>
        %dma_start3A_424 = arith.constant 0 : i32
        %dma_start3A_425 = arith.constant 0 : i32
        %dma_start3A_426 = tpu.memref_slice %arg6[%dma_start3A_412, %dma_start3A_424, %dma_start3A_425] : memref<7x128x128xf32, #tpu.memory_space<vmem>> -> memref<1x128x128xf32, #tpu.memory_space<vmem>>
        %dma_start3A_427 = tpu.memref_squeeze %dma_start3A_426 : memref<1x128x128xf32, #tpu.memory_space<vmem>> -> memref<128x128xf32, #tpu.memory_space<vmem>>
        tpu.enqueue_dma source(%dma_start3A_427 : memref<128x128xf32, #tpu.memory_space<vmem>>) target(%dma_start3A_423 : memref<128x128xf32, #tpu.memory_space<hbm>>) target_semaphore(%dma_start3A_421 : memref<!tpu.dma_semaphore, #tpu.memory_space<semaphore_mem>>)
      } else {
      }
      %sub3A_276 = arith.constant 2 : i32
      %sub3A_277 = arith.subi %add3A_270, %sub3A_276 : i32
      %ge3A_278 = arith.constant 0 : i32
      %ge3A_279 = arith.cmpi sge, %sub3A_277, %ge3A_278 : i32
      %add3A_280 = arith.constant 7 : i32
      %add3A_281 = arith.addi %sub3A_277, %add3A_280 : i32
      %lt3A_282 = arith.constant 50 : i32
      %lt3A_283 = arith.cmpi slt, %add3A_281, %lt3A_282 : i32
      %and3A_284 = arith.andi %ge3A_279, %lt3A_283 : i1
      %convert_element_type3A_285 = arith.extui %and3A_284 : i1 to i32
      %cond3A_286 = arith.constant 0 : i32
      %cond3A_287 = arith.cmpi ne, %convert_element_type3A_285, %cond3A_286 : i32
      scf.if %cond3A_287 {
        %mul3A_393 = arith.constant 4096 : i32
        %mul3A_394 = arith.muli %sub3A_277, %mul3A_393 : i32
        %mul3A_395 = arith.constant 128 : i32
        %mul3A_396 = arith.muli %add3A, %mul3A_395 : i32
        %add3A_397 = arith.addi %mul3A_394, %mul3A_396 : i32
        %dma_wait3A_398 = arith.constant 6 : i32
        %dma_wait3A_399 = arith.constant 6 : i32
        %dma_wait3A_400 = arith.constant 0 : i32
        %dma_wait3A_401 = arith.constant 0 : i32
        %dma_wait3A_402 = tpu.memref_slice %arg6[%dma_wait3A_398, %dma_wait3A_400, %dma_wait3A_401] : memref<7x128x128xf32, #tpu.memory_space<vmem>> -> memref<1x128x128xf32, #tpu.memory_space<vmem>>
        %dma_wait3A_403 = tpu.memref_squeeze %dma_wait3A_402 : memref<1x128x128xf32, #tpu.memory_space<vmem>> -> memref<128x128xf32, #tpu.memory_space<vmem>>
        %dma_wait3A_404 = arith.constant 0 : i32
        %dma_wait3A_405 = tpu.memref_slice %arg4[%add3A_397, %dma_wait3A_404] : memref<204800x128xf32, #tpu.memory_space<hbm>> -> memref<128x128xf32, #tpu.memory_space<hbm>>
        %dma_wait3A_406 = tpu.memref_slice %arg8[%dma_wait3A_399] : memref<7x!tpu.dma_semaphore, #tpu.memory_space<semaphore_mem>> -> memref<1x!tpu.dma_semaphore, #tpu.memory_space<semaphore_mem>>
        %dma_wait3A_407 = tpu.memref_squeeze %dma_wait3A_406 : memref<1x!tpu.dma_semaphore, #tpu.memory_space<semaphore_mem>> -> memref<!tpu.dma_semaphore, #tpu.memory_space<semaphore_mem>>
        %dma_wait3A_408 = arith.constant 0 : i32
        %dma_wait3A_409 = tpu.memref_slice %arg4[%add3A_397, %dma_wait3A_408] : memref<204800x128xf32, #tpu.memory_space<hbm>> -> memref<128x128xf32, #tpu.memory_space<hbm>>
        %dma_wait3A_410 = arith.constant 0 : i32
        %dma_wait3A_411 = arith.constant 0 : i32
        %dma_wait3A_412 = tpu.memref_slice %arg6[%dma_wait3A_398, %dma_wait3A_410, %dma_wait3A_411] : memref<7x128x128xf32, #tpu.memory_space<vmem>> -> memref<1x128x128xf32, #tpu.memory_space<vmem>>
        %dma_wait3A_413 = tpu.memref_squeeze %dma_wait3A_412 : memref<1x128x128xf32, #tpu.memory_space<vmem>> -> memref<128x128xf32, #tpu.memory_space<vmem>>
        tpu.wait_dma2 semaphore(%dma_wait3A_407 : memref<!tpu.dma_semaphore, #tpu.memory_space<semaphore_mem>>) src(%dma_wait3A_413 : memref<128x128xf32, #tpu.memory_space<vmem>>) dst(%dma_wait3A_409 : memref<128x128xf32, #tpu.memory_space<hbm>>)
        %add3A_414 = arith.constant 7 : i32
        %add3A_415 = arith.addi %sub3A_277, %add3A_414 : i32
        %dma_start3A_416 = arith.constant 6 : i32
        %dma_start3A_417 = arith.constant 6 : i32
        %dma_start3A_418 = arith.constant 0 : i32
        %dma_start3A_419 = arith.constant 0 : i32
        %dma_start3A_420 = tpu.memref_slice %arg6[%dma_start3A_416, %dma_start3A_418, %dma_start3A_419] : memref<7x128x128xf32, #tpu.memory_space<vmem>> -> memref<1x128x128xf32, #tpu.memory_space<vmem>>
        %dma_start3A_421 = tpu.memref_squeeze %dma_start3A_420 : memref<1x128x128xf32, #tpu.memory_space<vmem>> -> memref<128x128xf32, #tpu.memory_space<vmem>>
        %dma_start3A_422 = arith.constant 0 : i32
        %dma_start3A_423 = tpu.memref_slice %arg5[%add3A_415, %dma_start3A_422] : memref<50x128xi32, #tpu.memory_space<vmem>> -> memref<1x128xi32, #tpu.memory_space<vmem>>
        %dma_start3A_424 = tpu.memref_squeeze %dma_start3A_423 : memref<1x128xi32, #tpu.memory_space<vmem>> -> memref<128xi32, #tpu.memory_space<vmem>>
        %dma_start3A_425 = arith.constant 0 : i32
        %dma_start3A_426 = arith.constant 0 : i32
        %dma_start3A_427 = tpu.memref_slice %arg3[%dma_start3A_425, %dma_start3A_426] : memref<100000x128xf32, #tpu.memory_space<hbm>> -> memref<100000x128xf32, #tpu.memory_space<hbm>>
        %dma_start3A_428 = tpu.memref_slice %arg7[%dma_start3A_417] : memref<7x!tpu.dma_semaphore, #tpu.memory_space<semaphore_mem>> -> memref<1x!tpu.dma_semaphore, #tpu.memory_space<semaphore_mem>>
        %dma_start3A_429 = tpu.memref_squeeze %dma_start3A_428 : memref<1x!tpu.dma_semaphore, #tpu.memory_space<semaphore_mem>> -> memref<!tpu.dma_semaphore, #tpu.memory_space<semaphore_mem>>
        tpu.enqueue_indirect_dma source(%dma_start3A_427 : memref<100000x128xf32, #tpu.memory_space<hbm>>) target(%dma_start3A_421 : memref<128x128xf32, #tpu.memory_space<vmem>>) offsets(%dma_start3A_424 : memref<128xi32, #tpu.memory_space<vmem>>) semaphore(%dma_start3A_429 : memref<!tpu.dma_semaphore, #tpu.memory_space<semaphore_mem>>)
      } else {
      }
      %mul3A_288 = arith.constant 7 : i32
      %mul3A_289 = arith.muli %scan3A_251, %mul3A_288 : i32
      %add3A_290 = arith.constant 2 : i32
      %add3A_291 = arith.addi %mul3A_289, %add3A_290 : i32
      %lt3A_292 = arith.constant 50 : i32
      %lt3A_293 = arith.cmpi slt, %add3A_291, %lt3A_292 : i32
      %convert_element_type3A_294 = arith.extui %lt3A_293 : i1 to i32
      %cond3A_295 = arith.constant 0 : i32
      %cond3A_296 = arith.cmpi ne, %convert_element_type3A_294, %cond3A_295 : i32
      scf.if %cond3A_296 {
        %dma_wait3A_393 = arith.constant 2 : i32
        %dma_wait3A_394 = arith.constant 2 : i32
        %dma_wait3A_395 = arith.constant 0 : i32
        %dma_wait3A_396 = arith.constant 0 : i32
        %dma_wait3A_397 = tpu.memref_slice %arg6[%dma_wait3A_393, %dma_wait3A_395, %dma_wait3A_396] : memref<7x128x128xf32, #tpu.memory_space<vmem>> -> memref<1x128x128xf32, #tpu.memory_space<vmem>>
        %dma_wait3A_398 = tpu.memref_squeeze %dma_wait3A_397 : memref<1x128x128xf32, #tpu.memory_space<vmem>> -> memref<128x128xf32, #tpu.memory_space<vmem>>
        %dma_wait3A_399 = arith.constant 0 : i32
        %dma_wait3A_400 = tpu.memref_slice %arg5[%add3A_291, %dma_wait3A_399] : memref<50x128xi32, #tpu.memory_space<vmem>> -> memref<1x128xi32, #tpu.memory_space<vmem>>
        %dma_wait3A_401 = tpu.memref_squeeze %dma_wait3A_400 : memref<1x128xi32, #tpu.memory_space<vmem>> -> memref<128xi32, #tpu.memory_space<vmem>>
        %dma_wait3A_402 = arith.constant 0 : i32
        %dma_wait3A_403 = arith.constant 0 : i32
        %dma_wait3A_404 = tpu.memref_slice %arg3[%dma_wait3A_402, %dma_wait3A_403] : memref<100000x128xf32, #tpu.memory_space<hbm>> -> memref<100000x128xf32, #tpu.memory_space<hbm>>
        %dma_wait3A_405 = tpu.memref_slice %arg7[%dma_wait3A_394] : memref<7x!tpu.dma_semaphore, #tpu.memory_space<semaphore_mem>> -> memref<1x!tpu.dma_semaphore, #tpu.memory_space<semaphore_mem>>
        %dma_wait3A_406 = tpu.memref_squeeze %dma_wait3A_405 : memref<1x!tpu.dma_semaphore, #tpu.memory_space<semaphore_mem>> -> memref<!tpu.dma_semaphore, #tpu.memory_space<semaphore_mem>>
        tpu.wait_indirect_dma semaphore(%dma_wait3A_406 : memref<!tpu.dma_semaphore, #tpu.memory_space<semaphore_mem>>) src(%dma_wait3A_404 : memref<100000x128xf32, #tpu.memory_space<hbm>>) dst(%dma_wait3A_398 : memref<128x128xf32, #tpu.memory_space<vmem>>)
        %mul3A_407 = arith.constant 4096 : i32
        %mul3A_408 = arith.muli %add3A_291, %mul3A_407 : i32
        %mul3A_409 = arith.constant 128 : i32
        %mul3A_410 = arith.muli %add3A, %mul3A_409 : i32
        %add3A_411 = arith.addi %mul3A_408, %mul3A_410 : i32
        %dma_start3A_412 = arith.constant 2 : i32
        %dma_start3A_413 = arith.constant 2 : i32
        %dma_start3A_414 = arith.constant 0 : i32
        %dma_start3A_415 = arith.constant 0 : i32
        %dma_start3A_416 = tpu.memref_slice %arg6[%dma_start3A_412, %dma_start3A_414, %dma_start3A_415] : memref<7x128x128xf32, #tpu.memory_space<vmem>> -> memref<1x128x128xf32, #tpu.memory_space<vmem>>
        %dma_start3A_417 = tpu.memref_squeeze %dma_start3A_416 : memref<1x128x128xf32, #tpu.memory_space<vmem>> -> memref<128x128xf32, #tpu.memory_space<vmem>>
        %dma_start3A_418 = arith.constant 0 : i32
        %dma_start3A_419 = tpu.memref_slice %arg4[%add3A_411, %dma_start3A_418] : memref<204800x128xf32, #tpu.memory_space<hbm>> -> memref<128x128xf32, #tpu.memory_space<hbm>>
        %dma_start3A_420 = tpu.memref_slice %arg8[%dma_start3A_413] : memref<7x!tpu.dma_semaphore, #tpu.memory_space<semaphore_mem>> -> memref<1x!tpu.dma_semaphore, #tpu.memory_space<semaphore_mem>>
        %dma_start3A_421 = tpu.memref_squeeze %dma_start3A_420 : memref<1x!tpu.dma_semaphore, #tpu.memory_space<semaphore_mem>> -> memref<!tpu.dma_semaphore, #tpu.memory_space<semaphore_mem>>
        %dma_start3A_422 = arith.constant 0 : i32
        %dma_start3A_423 = tpu.memref_slice %arg4[%add3A_411, %dma_start3A_422] : memref<204800x128xf32, #tpu.memory_space<hbm>> -> memref<128x128xf32, #tpu.memory_space<hbm>>
        %dma_start3A_424 = arith.constant 0 : i32
        %dma_start3A_425 = arith.constant 0 : i32
        %dma_start3A_426 = tpu.memref_slice %arg6[%dma_start3A_412, %dma_start3A_424, %dma_start3A_425] : memref<7x128x128xf32, #tpu.memory_space<vmem>> -> memref<1x128x128xf32, #tpu.memory_space<vmem>>
        %dma_start3A_427 = tpu.memref_squeeze %dma_start3A_426 : memref<1x128x128xf32, #tpu.memory_space<vmem>> -> memref<128x128xf32, #tpu.memory_space<vmem>>
        tpu.enqueue_dma source(%dma_start3A_427 : memref<128x128xf32, #tpu.memory_space<vmem>>) target(%dma_start3A_423 : memref<128x128xf32, #tpu.memory_space<hbm>>) target_semaphore(%dma_start3A_421 : memref<!tpu.dma_semaphore, #tpu.memory_space<semaphore_mem>>)
      } else {
      }
      %sub3A_297 = arith.constant 2 : i32
      %sub3A_298 = arith.subi %add3A_291, %sub3A_297 : i32
      %ge3A_299 = arith.constant 0 : i32
      %ge3A_300 = arith.cmpi sge, %sub3A_298, %ge3A_299 : i32
      %add3A_301 = arith.constant 7 : i32
      %add3A_302 = arith.addi %sub3A_298, %add3A_301 : i32
      %lt3A_303 = arith.constant 50 : i32
      %lt3A_304 = arith.cmpi slt, %add3A_302, %lt3A_303 : i32
      %and3A_305 = arith.andi %ge3A_300, %lt3A_304 : i1
      %convert_element_type3A_306 = arith.extui %and3A_305 : i1 to i32
      %cond3A_307 = arith.constant 0 : i32
      %cond3A_308 = arith.cmpi ne, %convert_element_type3A_306, %cond3A_307 : i32
      scf.if %cond3A_308 {
        %mul3A_393 = arith.constant 4096 : i32
        %mul3A_394 = arith.muli %sub3A_298, %mul3A_393 : i32
        %mul3A_395 = arith.constant 128 : i32
        %mul3A_396 = arith.muli %add3A, %mul3A_395 : i32
        %add3A_397 = arith.addi %mul3A_394, %mul3A_396 : i32
        %dma_wait3A_398 = arith.constant 0 : i32
        %dma_wait3A_399 = arith.constant 0 : i32
        %dma_wait3A_400 = arith.constant 0 : i32
        %dma_wait3A_401 = arith.constant 0 : i32
        %dma_wait3A_402 = tpu.memref_slice %arg6[%dma_wait3A_398, %dma_wait3A_400, %dma_wait3A_401] : memref<7x128x128xf32, #tpu.memory_space<vmem>> -> memref<1x128x128xf32, #tpu.memory_space<vmem>>
        %dma_wait3A_403 = tpu.memref_squeeze %dma_wait3A_402 : memref<1x128x128xf32, #tpu.memory_space<vmem>> -> memref<128x128xf32, #tpu.memory_space<vmem>>
        %dma_wait3A_404 = arith.constant 0 : i32
        %dma_wait3A_405 = tpu.memref_slice %arg4[%add3A_397, %dma_wait3A_404] : memref<204800x128xf32, #tpu.memory_space<hbm>> -> memref<128x128xf32, #tpu.memory_space<hbm>>
        %dma_wait3A_406 = tpu.memref_slice %arg8[%dma_wait3A_399] : memref<7x!tpu.dma_semaphore, #tpu.memory_space<semaphore_mem>> -> memref<1x!tpu.dma_semaphore, #tpu.memory_space<semaphore_mem>>
        %dma_wait3A_407 = tpu.memref_squeeze %dma_wait3A_406 : memref<1x!tpu.dma_semaphore, #tpu.memory_space<semaphore_mem>> -> memref<!tpu.dma_semaphore, #tpu.memory_space<semaphore_mem>>
        %dma_wait3A_408 = arith.constant 0 : i32
        %dma_wait3A_409 = tpu.memref_slice %arg4[%add3A_397, %dma_wait3A_408] : memref<204800x128xf32, #tpu.memory_space<hbm>> -> memref<128x128xf32, #tpu.memory_space<hbm>>
        %dma_wait3A_410 = arith.constant 0 : i32
        %dma_wait3A_411 = arith.constant 0 : i32
        %dma_wait3A_412 = tpu.memref_slice %arg6[%dma_wait3A_398, %dma_wait3A_410, %dma_wait3A_411] : memref<7x128x128xf32, #tpu.memory_space<vmem>> -> memref<1x128x128xf32, #tpu.memory_space<vmem>>
        %dma_wait3A_413 = tpu.memref_squeeze %dma_wait3A_412 : memref<1x128x128xf32, #tpu.memory_space<vmem>> -> memref<128x128xf32, #tpu.memory_space<vmem>>
        tpu.wait_dma2 semaphore(%dma_wait3A_407 : memref<!tpu.dma_semaphore, #tpu.memory_space<semaphore_mem>>) src(%dma_wait3A_413 : memref<128x128xf32, #tpu.memory_space<vmem>>) dst(%dma_wait3A_409 : memref<128x128xf32, #tpu.memory_space<hbm>>)
        %add3A_414 = arith.constant 7 : i32
        %add3A_415 = arith.addi %sub3A_298, %add3A_414 : i32
        %dma_start3A_416 = arith.constant 0 : i32
        %dma_start3A_417 = arith.constant 0 : i32
        %dma_start3A_418 = arith.constant 0 : i32
        %dma_start3A_419 = arith.constant 0 : i32
        %dma_start3A_420 = tpu.memref_slice %arg6[%dma_start3A_416, %dma_start3A_418, %dma_start3A_419] : memref<7x128x128xf32, #tpu.memory_space<vmem>> -> memref<1x128x128xf32, #tpu.memory_space<vmem>>
        %dma_start3A_421 = tpu.memref_squeeze %dma_start3A_420 : memref<1x128x128xf32, #tpu.memory_space<vmem>> -> memref<128x128xf32, #tpu.memory_space<vmem>>
        %dma_start3A_422 = arith.constant 0 : i32
        %dma_start3A_423 = tpu.memref_slice %arg5[%add3A_415, %dma_start3A_422] : memref<50x128xi32, #tpu.memory_space<vmem>> -> memref<1x128xi32, #tpu.memory_space<vmem>>
        %dma_start3A_424 = tpu.memref_squeeze %dma_start3A_423 : memref<1x128xi32, #tpu.memory_space<vmem>> -> memref<128xi32, #tpu.memory_space<vmem>>
        %dma_start3A_425 = arith.constant 0 : i32
        %dma_start3A_426 = arith.constant 0 : i32
        %dma_start3A_427 = tpu.memref_slice %arg3[%dma_start3A_425, %dma_start3A_426] : memref<100000x128xf32, #tpu.memory_space<hbm>> -> memref<100000x128xf32, #tpu.memory_space<hbm>>
        %dma_start3A_428 = tpu.memref_slice %arg7[%dma_start3A_417] : memref<7x!tpu.dma_semaphore, #tpu.memory_space<semaphore_mem>> -> memref<1x!tpu.dma_semaphore, #tpu.memory_space<semaphore_mem>>
        %dma_start3A_429 = tpu.memref_squeeze %dma_start3A_428 : memref<1x!tpu.dma_semaphore, #tpu.memory_space<semaphore_mem>> -> memref<!tpu.dma_semaphore, #tpu.memory_space<semaphore_mem>>
        tpu.enqueue_indirect_dma source(%dma_start3A_427 : memref<100000x128xf32, #tpu.memory_space<hbm>>) target(%dma_start3A_421 : memref<128x128xf32, #tpu.memory_space<vmem>>) offsets(%dma_start3A_424 : memref<128xi32, #tpu.memory_space<vmem>>) semaphore(%dma_start3A_429 : memref<!tpu.dma_semaphore, #tpu.memory_space<semaphore_mem>>)
      } else {
      }
      %mul3A_309 = arith.constant 7 : i32
      %mul3A_310 = arith.muli %scan3A_251, %mul3A_309 : i32
      %add3A_311 = arith.constant 3 : i32
      %add3A_312 = arith.addi %mul3A_310, %add3A_311 : i32
      %lt3A_313 = arith.constant 50 : i32
      %lt3A_314 = arith.cmpi slt, %add3A_312, %lt3A_313 : i32
      %convert_element_type3A_315 = arith.extui %lt3A_314 : i1 to i32
      %cond3A_316 = arith.constant 0 : i32
      %cond3A_317 = arith.cmpi ne, %convert_element_type3A_315, %cond3A_316 : i32
      scf.if %cond3A_317 {
        %dma_wait3A_393 = arith.constant 3 : i32
        %dma_wait3A_394 = arith.constant 3 : i32
        %dma_wait3A_395 = arith.constant 0 : i32
        %dma_wait3A_396 = arith.constant 0 : i32
        %dma_wait3A_397 = tpu.memref_slice %arg6[%dma_wait3A_393, %dma_wait3A_395, %dma_wait3A_396] : memref<7x128x128xf32, #tpu.memory_space<vmem>> -> memref<1x128x128xf32, #tpu.memory_space<vmem>>
        %dma_wait3A_398 = tpu.memref_squeeze %dma_wait3A_397 : memref<1x128x128xf32, #tpu.memory_space<vmem>> -> memref<128x128xf32, #tpu.memory_space<vmem>>
        %dma_wait3A_399 = arith.constant 0 : i32
        %dma_wait3A_400 = tpu.memref_slice %arg5[%add3A_312, %dma_wait3A_399] : memref<50x128xi32, #tpu.memory_space<vmem>> -> memref<1x128xi32, #tpu.memory_space<vmem>>
        %dma_wait3A_401 = tpu.memref_squeeze %dma_wait3A_400 : memref<1x128xi32, #tpu.memory_space<vmem>> -> memref<128xi32, #tpu.memory_space<vmem>>
        %dma_wait3A_402 = arith.constant 0 : i32
        %dma_wait3A_403 = arith.constant 0 : i32
        %dma_wait3A_404 = tpu.memref_slice %arg3[%dma_wait3A_402, %dma_wait3A_403] : memref<100000x128xf32, #tpu.memory_space<hbm>> -> memref<100000x128xf32, #tpu.memory_space<hbm>>
        %dma_wait3A_405 = tpu.memref_slice %arg7[%dma_wait3A_394] : memref<7x!tpu.dma_semaphore, #tpu.memory_space<semaphore_mem>> -> memref<1x!tpu.dma_semaphore, #tpu.memory_space<semaphore_mem>>
        %dma_wait3A_406 = tpu.memref_squeeze %dma_wait3A_405 : memref<1x!tpu.dma_semaphore, #tpu.memory_space<semaphore_mem>> -> memref<!tpu.dma_semaphore, #tpu.memory_space<semaphore_mem>>
        tpu.wait_indirect_dma semaphore(%dma_wait3A_406 : memref<!tpu.dma_semaphore, #tpu.memory_space<semaphore_mem>>) src(%dma_wait3A_404 : memref<100000x128xf32, #tpu.memory_space<hbm>>) dst(%dma_wait3A_398 : memref<128x128xf32, #tpu.memory_space<vmem>>)
        %mul3A_407 = arith.constant 4096 : i32
        %mul3A_408 = arith.muli %add3A_312, %mul3A_407 : i32
        %mul3A_409 = arith.constant 128 : i32
        %mul3A_410 = arith.muli %add3A, %mul3A_409 : i32
        %add3A_411 = arith.addi %mul3A_408, %mul3A_410 : i32
        %dma_start3A_412 = arith.constant 3 : i32
        %dma_start3A_413 = arith.constant 3 : i32
        %dma_start3A_414 = arith.constant 0 : i32
        %dma_start3A_415 = arith.constant 0 : i32
        %dma_start3A_416 = tpu.memref_slice %arg6[%dma_start3A_412, %dma_start3A_414, %dma_start3A_415] : memref<7x128x128xf32, #tpu.memory_space<vmem>> -> memref<1x128x128xf32, #tpu.memory_space<vmem>>
        %dma_start3A_417 = tpu.memref_squeeze %dma_start3A_416 : memref<1x128x128xf32, #tpu.memory_space<vmem>> -> memref<128x128xf32, #tpu.memory_space<vmem>>
        %dma_start3A_418 = arith.constant 0 : i32
        %dma_start3A_419 = tpu.memref_slice %arg4[%add3A_411, %dma_start3A_418] : memref<204800x128xf32, #tpu.memory_space<hbm>> -> memref<128x128xf32, #tpu.memory_space<hbm>>
        %dma_start3A_420 = tpu.memref_slice %arg8[%dma_start3A_413] : memref<7x!tpu.dma_semaphore, #tpu.memory_space<semaphore_mem>> -> memref<1x!tpu.dma_semaphore, #tpu.memory_space<semaphore_mem>>
        %dma_start3A_421 = tpu.memref_squeeze %dma_start3A_420 : memref<1x!tpu.dma_semaphore, #tpu.memory_space<semaphore_mem>> -> memref<!tpu.dma_semaphore, #tpu.memory_space<semaphore_mem>>
        %dma_start3A_422 = arith.constant 0 : i32
        %dma_start3A_423 = tpu.memref_slice %arg4[%add3A_411, %dma_start3A_422] : memref<204800x128xf32, #tpu.memory_space<hbm>> -> memref<128x128xf32, #tpu.memory_space<hbm>>
        %dma_start3A_424 = arith.constant 0 : i32
        %dma_start3A_425 = arith.constant 0 : i32
        %dma_start3A_426 = tpu.memref_slice %arg6[%dma_start3A_412, %dma_start3A_424, %dma_start3A_425] : memref<7x128x128xf32, #tpu.memory_space<vmem>> -> memref<1x128x128xf32, #tpu.memory_space<vmem>>
        %dma_start3A_427 = tpu.memref_squeeze %dma_start3A_426 : memref<1x128x128xf32, #tpu.memory_space<vmem>> -> memref<128x128xf32, #tpu.memory_space<vmem>>
        tpu.enqueue_dma source(%dma_start3A_427 : memref<128x128xf32, #tpu.memory_space<vmem>>) target(%dma_start3A_423 : memref<128x128xf32, #tpu.memory_space<hbm>>) target_semaphore(%dma_start3A_421 : memref<!tpu.dma_semaphore, #tpu.memory_space<semaphore_mem>>)
      } else {
      }
      %sub3A_318 = arith.constant 2 : i32
      %sub3A_319 = arith.subi %add3A_312, %sub3A_318 : i32
      %ge3A_320 = arith.constant 0 : i32
      %ge3A_321 = arith.cmpi sge, %sub3A_319, %ge3A_320 : i32
      %add3A_322 = arith.constant 7 : i32
      %add3A_323 = arith.addi %sub3A_319, %add3A_322 : i32
      %lt3A_324 = arith.constant 50 : i32
      %lt3A_325 = arith.cmpi slt, %add3A_323, %lt3A_324 : i32
      %and3A_326 = arith.andi %ge3A_321, %lt3A_325 : i1
      %convert_element_type3A_327 = arith.extui %and3A_326 : i1 to i32
      %cond3A_328 = arith.constant 0 : i32
      %cond3A_329 = arith.cmpi ne, %convert_element_type3A_327, %cond3A_328 : i32
      scf.if %cond3A_329 {
        %mul3A_393 = arith.constant 4096 : i32
        %mul3A_394 = arith.muli %sub3A_319, %mul3A_393 : i32
        %mul3A_395 = arith.constant 128 : i32
        %mul3A_396 = arith.muli %add3A, %mul3A_395 : i32
        %add3A_397 = arith.addi %mul3A_394, %mul3A_396 : i32
        %dma_wait3A_398 = arith.constant 1 : i32
        %dma_wait3A_399 = arith.constant 1 : i32
        %dma_wait3A_400 = arith.constant 0 : i32
        %dma_wait3A_401 = arith.constant 0 : i32
        %dma_wait3A_402 = tpu.memref_slice %arg6[%dma_wait3A_398, %dma_wait3A_400, %dma_wait3A_401] : memref<7x128x128xf32, #tpu.memory_space<vmem>> -> memref<1x128x128xf32, #tpu.memory_space<vmem>>
        %dma_wait3A_403 = tpu.memref_squeeze %dma_wait3A_402 : memref<1x128x128xf32, #tpu.memory_space<vmem>> -> memref<128x128xf32, #tpu.memory_space<vmem>>
        %dma_wait3A_404 = arith.constant 0 : i32
        %dma_wait3A_405 = tpu.memref_slice %arg4[%add3A_397, %dma_wait3A_404] : memref<204800x128xf32, #tpu.memory_space<hbm>> -> memref<128x128xf32, #tpu.memory_space<hbm>>
        %dma_wait3A_406 = tpu.memref_slice %arg8[%dma_wait3A_399] : memref<7x!tpu.dma_semaphore, #tpu.memory_space<semaphore_mem>> -> memref<1x!tpu.dma_semaphore, #tpu.memory_space<semaphore_mem>>
        %dma_wait3A_407 = tpu.memref_squeeze %dma_wait3A_406 : memref<1x!tpu.dma_semaphore, #tpu.memory_space<semaphore_mem>> -> memref<!tpu.dma_semaphore, #tpu.memory_space<semaphore_mem>>
        %dma_wait3A_408 = arith.constant 0 : i32
        %dma_wait3A_409 = tpu.memref_slice %arg4[%add3A_397, %dma_wait3A_408] : memref<204800x128xf32, #tpu.memory_space<hbm>> -> memref<128x128xf32, #tpu.memory_space<hbm>>
        %dma_wait3A_410 = arith.constant 0 : i32
        %dma_wait3A_411 = arith.constant 0 : i32
        %dma_wait3A_412 = tpu.memref_slice %arg6[%dma_wait3A_398, %dma_wait3A_410, %dma_wait3A_411] : memref<7x128x128xf32, #tpu.memory_space<vmem>> -> memref<1x128x128xf32, #tpu.memory_space<vmem>>
        %dma_wait3A_413 = tpu.memref_squeeze %dma_wait3A_412 : memref<1x128x128xf32, #tpu.memory_space<vmem>> -> memref<128x128xf32, #tpu.memory_space<vmem>>
        tpu.wait_dma2 semaphore(%dma_wait3A_407 : memref<!tpu.dma_semaphore, #tpu.memory_space<semaphore_mem>>) src(%dma_wait3A_413 : memref<128x128xf32, #tpu.memory_space<vmem>>) dst(%dma_wait3A_409 : memref<128x128xf32, #tpu.memory_space<hbm>>)
        %add3A_414 = arith.constant 7 : i32
        %add3A_415 = arith.addi %sub3A_319, %add3A_414 : i32
        %dma_start3A_416 = arith.constant 1 : i32
        %dma_start3A_417 = arith.constant 1 : i32
        %dma_start3A_418 = arith.constant 0 : i32
        %dma_start3A_419 = arith.constant 0 : i32
        %dma_start3A_420 = tpu.memref_slice %arg6[%dma_start3A_416, %dma_start3A_418, %dma_start3A_419] : memref<7x128x128xf32, #tpu.memory_space<vmem>> -> memref<1x128x128xf32, #tpu.memory_space<vmem>>
        %dma_start3A_421 = tpu.memref_squeeze %dma_start3A_420 : memref<1x128x128xf32, #tpu.memory_space<vmem>> -> memref<128x128xf32, #tpu.memory_space<vmem>>
        %dma_start3A_422 = arith.constant 0 : i32
        %dma_start3A_423 = tpu.memref_slice %arg5[%add3A_415, %dma_start3A_422] : memref<50x128xi32, #tpu.memory_space<vmem>> -> memref<1x128xi32, #tpu.memory_space<vmem>>
        %dma_start3A_424 = tpu.memref_squeeze %dma_start3A_423 : memref<1x128xi32, #tpu.memory_space<vmem>> -> memref<128xi32, #tpu.memory_space<vmem>>
        %dma_start3A_425 = arith.constant 0 : i32
        %dma_start3A_426 = arith.constant 0 : i32
        %dma_start3A_427 = tpu.memref_slice %arg3[%dma_start3A_425, %dma_start3A_426] : memref<100000x128xf32, #tpu.memory_space<hbm>> -> memref<100000x128xf32, #tpu.memory_space<hbm>>
        %dma_start3A_428 = tpu.memref_slice %arg7[%dma_start3A_417] : memref<7x!tpu.dma_semaphore, #tpu.memory_space<semaphore_mem>> -> memref<1x!tpu.dma_semaphore, #tpu.memory_space<semaphore_mem>>
        %dma_start3A_429 = tpu.memref_squeeze %dma_start3A_428 : memref<1x!tpu.dma_semaphore, #tpu.memory_space<semaphore_mem>> -> memref<!tpu.dma_semaphore, #tpu.memory_space<semaphore_mem>>
        tpu.enqueue_indirect_dma source(%dma_start3A_427 : memref<100000x128xf32, #tpu.memory_space<hbm>>) target(%dma_start3A_421 : memref<128x128xf32, #tpu.memory_space<vmem>>) offsets(%dma_start3A_424 : memref<128xi32, #tpu.memory_space<vmem>>) semaphore(%dma_start3A_429 : memref<!tpu.dma_semaphore, #tpu.memory_space<semaphore_mem>>)
      } else {
      }
      %mul3A_330 = arith.constant 7 : i32
      %mul3A_331 = arith.muli %scan3A_251, %mul3A_330 : i32
      %add3A_332 = arith.constant 4 : i32
      %add3A_333 = arith.addi %mul3A_331, %add3A_332 : i32
      %lt3A_334 = arith.constant 50 : i32
      %lt3A_335 = arith.cmpi slt, %add3A_333, %lt3A_334 : i32
      %convert_element_type3A_336 = arith.extui %lt3A_335 : i1 to i32
      %cond3A_337 = arith.constant 0 : i32
      %cond3A_338 = arith.cmpi ne, %convert_element_type3A_336, %cond3A_337 : i32
      scf.if %cond3A_338 {
        %dma_wait3A_393 = arith.constant 4 : i32
        %dma_wait3A_394 = arith.constant 4 : i32
        %dma_wait3A_395 = arith.constant 0 : i32
        %dma_wait3A_396 = arith.constant 0 : i32
        %dma_wait3A_397 = tpu.memref_slice %arg6[%dma_wait3A_393, %dma_wait3A_395, %dma_wait3A_396] : memref<7x128x128xf32, #tpu.memory_space<vmem>> -> memref<1x128x128xf32, #tpu.memory_space<vmem>>
        %dma_wait3A_398 = tpu.memref_squeeze %dma_wait3A_397 : memref<1x128x128xf32, #tpu.memory_space<vmem>> -> memref<128x128xf32, #tpu.memory_space<vmem>>
        %dma_wait3A_399 = arith.constant 0 : i32
        %dma_wait3A_400 = tpu.memref_slice %arg5[%add3A_333, %dma_wait3A_399] : memref<50x128xi32, #tpu.memory_space<vmem>> -> memref<1x128xi32, #tpu.memory_space<vmem>>
        %dma_wait3A_401 = tpu.memref_squeeze %dma_wait3A_400 : memref<1x128xi32, #tpu.memory_space<vmem>> -> memref<128xi32, #tpu.memory_space<vmem>>
        %dma_wait3A_402 = arith.constant 0 : i32
        %dma_wait3A_403 = arith.constant 0 : i32
        %dma_wait3A_404 = tpu.memref_slice %arg3[%dma_wait3A_402, %dma_wait3A_403] : memref<100000x128xf32, #tpu.memory_space<hbm>> -> memref<100000x128xf32, #tpu.memory_space<hbm>>
        %dma_wait3A_405 = tpu.memref_slice %arg7[%dma_wait3A_394] : memref<7x!tpu.dma_semaphore, #tpu.memory_space<semaphore_mem>> -> memref<1x!tpu.dma_semaphore, #tpu.memory_space<semaphore_mem>>
        %dma_wait3A_406 = tpu.memref_squeeze %dma_wait3A_405 : memref<1x!tpu.dma_semaphore, #tpu.memory_space<semaphore_mem>> -> memref<!tpu.dma_semaphore, #tpu.memory_space<semaphore_mem>>
        tpu.wait_indirect_dma semaphore(%dma_wait3A_406 : memref<!tpu.dma_semaphore, #tpu.memory_space<semaphore_mem>>) src(%dma_wait3A_404 : memref<100000x128xf32, #tpu.memory_space<hbm>>) dst(%dma_wait3A_398 : memref<128x128xf32, #tpu.memory_space<vmem>>)
        %mul3A_407 = arith.constant 4096 : i32
        %mul3A_408 = arith.muli %add3A_333, %mul3A_407 : i32
        %mul3A_409 = arith.constant 128 : i32
        %mul3A_410 = arith.muli %add3A, %mul3A_409 : i32
        %add3A_411 = arith.addi %mul3A_408, %mul3A_410 : i32
        %dma_start3A_412 = arith.constant 4 : i32
        %dma_start3A_413 = arith.constant 4 : i32
        %dma_start3A_414 = arith.constant 0 : i32
        %dma_start3A_415 = arith.constant 0 : i32
        %dma_start3A_416 = tpu.memref_slice %arg6[%dma_start3A_412, %dma_start3A_414, %dma_start3A_415] : memref<7x128x128xf32, #tpu.memory_space<vmem>> -> memref<1x128x128xf32, #tpu.memory_space<vmem>>
        %dma_start3A_417 = tpu.memref_squeeze %dma_start3A_416 : memref<1x128x128xf32, #tpu.memory_space<vmem>> -> memref<128x128xf32, #tpu.memory_space<vmem>>
        %dma_start3A_418 = arith.constant 0 : i32
        %dma_start3A_419 = tpu.memref_slice %arg4[%add3A_411, %dma_start3A_418] : memref<204800x128xf32, #tpu.memory_space<hbm>> -> memref<128x128xf32, #tpu.memory_space<hbm>>
        %dma_start3A_420 = tpu.memref_slice %arg8[%dma_start3A_413] : memref<7x!tpu.dma_semaphore, #tpu.memory_space<semaphore_mem>> -> memref<1x!tpu.dma_semaphore, #tpu.memory_space<semaphore_mem>>
        %dma_start3A_421 = tpu.memref_squeeze %dma_start3A_420 : memref<1x!tpu.dma_semaphore, #tpu.memory_space<semaphore_mem>> -> memref<!tpu.dma_semaphore, #tpu.memory_space<semaphore_mem>>
        %dma_start3A_422 = arith.constant 0 : i32
        %dma_start3A_423 = tpu.memref_slice %arg4[%add3A_411, %dma_start3A_422] : memref<204800x128xf32, #tpu.memory_space<hbm>> -> memref<128x128xf32, #tpu.memory_space<hbm>>
        %dma_start3A_424 = arith.constant 0 : i32
        %dma_start3A_425 = arith.constant 0 : i32
        %dma_start3A_426 = tpu.memref_slice %arg6[%dma_start3A_412, %dma_start3A_424, %dma_start3A_425] : memref<7x128x128xf32, #tpu.memory_space<vmem>> -> memref<1x128x128xf32, #tpu.memory_space<vmem>>
        %dma_start3A_427 = tpu.memref_squeeze %dma_start3A_426 : memref<1x128x128xf32, #tpu.memory_space<vmem>> -> memref<128x128xf32, #tpu.memory_space<vmem>>
        tpu.enqueue_dma source(%dma_start3A_427 : memref<128x128xf32, #tpu.memory_space<vmem>>) target(%dma_start3A_423 : memref<128x128xf32, #tpu.memory_space<hbm>>) target_semaphore(%dma_start3A_421 : memref<!tpu.dma_semaphore, #tpu.memory_space<semaphore_mem>>)
      } else {
      }
      %sub3A_339 = arith.constant 2 : i32
      %sub3A_340 = arith.subi %add3A_333, %sub3A_339 : i32
      %ge3A_341 = arith.constant 0 : i32
      %ge3A_342 = arith.cmpi sge, %sub3A_340, %ge3A_341 : i32
      %add3A_343 = arith.constant 7 : i32
      %add3A_344 = arith.addi %sub3A_340, %add3A_343 : i32
      %lt3A_345 = arith.constant 50 : i32
      %lt3A_346 = arith.cmpi slt, %add3A_344, %lt3A_345 : i32
      %and3A_347 = arith.andi %ge3A_342, %lt3A_346 : i1
      %convert_element_type3A_348 = arith.extui %and3A_347 : i1 to i32
      %cond3A_349 = arith.constant 0 : i32
      %cond3A_350 = arith.cmpi ne, %convert_element_type3A_348, %cond3A_349 : i32
      scf.if %cond3A_350 {
        %mul3A_393 = arith.constant 4096 : i32
        %mul3A_394 = arith.muli %sub3A_340, %mul3A_393 : i32
        %mul3A_395 = arith.constant 128 : i32
        %mul3A_396 = arith.muli %add3A, %mul3A_395 : i32
        %add3A_397 = arith.addi %mul3A_394, %mul3A_396 : i32
        %dma_wait3A_398 = arith.constant 2 : i32
        %dma_wait3A_399 = arith.constant 2 : i32
        %dma_wait3A_400 = arith.constant 0 : i32
        %dma_wait3A_401 = arith.constant 0 : i32
        %dma_wait3A_402 = tpu.memref_slice %arg6[%dma_wait3A_398, %dma_wait3A_400, %dma_wait3A_401] : memref<7x128x128xf32, #tpu.memory_space<vmem>> -> memref<1x128x128xf32, #tpu.memory_space<vmem>>
        %dma_wait3A_403 = tpu.memref_squeeze %dma_wait3A_402 : memref<1x128x128xf32, #tpu.memory_space<vmem>> -> memref<128x128xf32, #tpu.memory_space<vmem>>
        %dma_wait3A_404 = arith.constant 0 : i32
        %dma_wait3A_405 = tpu.memref_slice %arg4[%add3A_397, %dma_wait3A_404] : memref<204800x128xf32, #tpu.memory_space<hbm>> -> memref<128x128xf32, #tpu.memory_space<hbm>>
        %dma_wait3A_406 = tpu.memref_slice %arg8[%dma_wait3A_399] : memref<7x!tpu.dma_semaphore, #tpu.memory_space<semaphore_mem>> -> memref<1x!tpu.dma_semaphore, #tpu.memory_space<semaphore_mem>>
        %dma_wait3A_407 = tpu.memref_squeeze %dma_wait3A_406 : memref<1x!tpu.dma_semaphore, #tpu.memory_space<semaphore_mem>> -> memref<!tpu.dma_semaphore, #tpu.memory_space<semaphore_mem>>
        %dma_wait3A_408 = arith.constant 0 : i32
        %dma_wait3A_409 = tpu.memref_slice %arg4[%add3A_397, %dma_wait3A_408] : memref<204800x128xf32, #tpu.memory_space<hbm>> -> memref<128x128xf32, #tpu.memory_space<hbm>>
        %dma_wait3A_410 = arith.constant 0 : i32
        %dma_wait3A_411 = arith.constant 0 : i32
        %dma_wait3A_412 = tpu.memref_slice %arg6[%dma_wait3A_398, %dma_wait3A_410, %dma_wait3A_411] : memref<7x128x128xf32, #tpu.memory_space<vmem>> -> memref<1x128x128xf32, #tpu.memory_space<vmem>>
        %dma_wait3A_413 = tpu.memref_squeeze %dma_wait3A_412 : memref<1x128x128xf32, #tpu.memory_space<vmem>> -> memref<128x128xf32, #tpu.memory_space<vmem>>
        tpu.wait_dma2 semaphore(%dma_wait3A_407 : memref<!tpu.dma_semaphore, #tpu.memory_space<semaphore_mem>>) src(%dma_wait3A_413 : memref<128x128xf32, #tpu.memory_space<vmem>>) dst(%dma_wait3A_409 : memref<128x128xf32, #tpu.memory_space<hbm>>)
        %add3A_414 = arith.constant 7 : i32
        %add3A_415 = arith.addi %sub3A_340, %add3A_414 : i32
        %dma_start3A_416 = arith.constant 2 : i32
        %dma_start3A_417 = arith.constant 2 : i32
        %dma_start3A_418 = arith.constant 0 : i32
        %dma_start3A_419 = arith.constant 0 : i32
        %dma_start3A_420 = tpu.memref_slice %arg6[%dma_start3A_416, %dma_start3A_418, %dma_start3A_419] : memref<7x128x128xf32, #tpu.memory_space<vmem>> -> memref<1x128x128xf32, #tpu.memory_space<vmem>>
        %dma_start3A_421 = tpu.memref_squeeze %dma_start3A_420 : memref<1x128x128xf32, #tpu.memory_space<vmem>> -> memref<128x128xf32, #tpu.memory_space<vmem>>
        %dma_start3A_422 = arith.constant 0 : i32
        %dma_start3A_423 = tpu.memref_slice %arg5[%add3A_415, %dma_start3A_422] : memref<50x128xi32, #tpu.memory_space<vmem>> -> memref<1x128xi32, #tpu.memory_space<vmem>>
        %dma_start3A_424 = tpu.memref_squeeze %dma_start3A_423 : memref<1x128xi32, #tpu.memory_space<vmem>> -> memref<128xi32, #tpu.memory_space<vmem>>
        %dma_start3A_425 = arith.constant 0 : i32
        %dma_start3A_426 = arith.constant 0 : i32
        %dma_start3A_427 = tpu.memref_slice %arg3[%dma_start3A_425, %dma_start3A_426] : memref<100000x128xf32, #tpu.memory_space<hbm>> -> memref<100000x128xf32, #tpu.memory_space<hbm>>
        %dma_start3A_428 = tpu.memref_slice %arg7[%dma_start3A_417] : memref<7x!tpu.dma_semaphore, #tpu.memory_space<semaphore_mem>> -> memref<1x!tpu.dma_semaphore, #tpu.memory_space<semaphore_mem>>
        %dma_start3A_429 = tpu.memref_squeeze %dma_start3A_428 : memref<1x!tpu.dma_semaphore, #tpu.memory_space<semaphore_mem>> -> memref<!tpu.dma_semaphore, #tpu.memory_space<semaphore_mem>>
        tpu.enqueue_indirect_dma source(%dma_start3A_427 : memref<100000x128xf32, #tpu.memory_space<hbm>>) target(%dma_start3A_421 : memref<128x128xf32, #tpu.memory_space<vmem>>) offsets(%dma_start3A_424 : memref<128xi32, #tpu.memory_space<vmem>>) semaphore(%dma_start3A_429 : memref<!tpu.dma_semaphore, #tpu.memory_space<semaphore_mem>>)
      } else {
      }
      %mul3A_351 = arith.constant 7 : i32
      %mul3A_352 = arith.muli %scan3A_251, %mul3A_351 : i32
      %add3A_353 = arith.constant 5 : i32
      %add3A_354 = arith.addi %mul3A_352, %add3A_353 : i32
      %lt3A_355 = arith.constant 50 : i32
      %lt3A_356 = arith.cmpi slt, %add3A_354, %lt3A_355 : i32
      %convert_element_type3A_357 = arith.extui %lt3A_356 : i1 to i32
      %cond3A_358 = arith.constant 0 : i32
      %cond3A_359 = arith.cmpi ne, %convert_element_type3A_357, %cond3A_358 : i32
      scf.if %cond3A_359 {
        %dma_wait3A_393 = arith.constant 5 : i32
        %dma_wait3A_394 = arith.constant 5 : i32
        %dma_wait3A_395 = arith.constant 0 : i32
        %dma_wait3A_396 = arith.constant 0 : i32
        %dma_wait3A_397 = tpu.memref_slice %arg6[%dma_wait3A_393, %dma_wait3A_395, %dma_wait3A_396] : memref<7x128x128xf32, #tpu.memory_space<vmem>> -> memref<1x128x128xf32, #tpu.memory_space<vmem>>
        %dma_wait3A_398 = tpu.memref_squeeze %dma_wait3A_397 : memref<1x128x128xf32, #tpu.memory_space<vmem>> -> memref<128x128xf32, #tpu.memory_space<vmem>>
        %dma_wait3A_399 = arith.constant 0 : i32
        %dma_wait3A_400 = tpu.memref_slice %arg5[%add3A_354, %dma_wait3A_399] : memref<50x128xi32, #tpu.memory_space<vmem>> -> memref<1x128xi32, #tpu.memory_space<vmem>>
        %dma_wait3A_401 = tpu.memref_squeeze %dma_wait3A_400 : memref<1x128xi32, #tpu.memory_space<vmem>> -> memref<128xi32, #tpu.memory_space<vmem>>
        %dma_wait3A_402 = arith.constant 0 : i32
        %dma_wait3A_403 = arith.constant 0 : i32
        %dma_wait3A_404 = tpu.memref_slice %arg3[%dma_wait3A_402, %dma_wait3A_403] : memref<100000x128xf32, #tpu.memory_space<hbm>> -> memref<100000x128xf32, #tpu.memory_space<hbm>>
        %dma_wait3A_405 = tpu.memref_slice %arg7[%dma_wait3A_394] : memref<7x!tpu.dma_semaphore, #tpu.memory_space<semaphore_mem>> -> memref<1x!tpu.dma_semaphore, #tpu.memory_space<semaphore_mem>>
        %dma_wait3A_406 = tpu.memref_squeeze %dma_wait3A_405 : memref<1x!tpu.dma_semaphore, #tpu.memory_space<semaphore_mem>> -> memref<!tpu.dma_semaphore, #tpu.memory_space<semaphore_mem>>
        tpu.wait_indirect_dma semaphore(%dma_wait3A_406 : memref<!tpu.dma_semaphore, #tpu.memory_space<semaphore_mem>>) src(%dma_wait3A_404 : memref<100000x128xf32, #tpu.memory_space<hbm>>) dst(%dma_wait3A_398 : memref<128x128xf32, #tpu.memory_space<vmem>>)
        %mul3A_407 = arith.constant 4096 : i32
        %mul3A_408 = arith.muli %add3A_354, %mul3A_407 : i32
        %mul3A_409 = arith.constant 128 : i32
        %mul3A_410 = arith.muli %add3A, %mul3A_409 : i32
        %add3A_411 = arith.addi %mul3A_408, %mul3A_410 : i32
        %dma_start3A_412 = arith.constant 5 : i32
        %dma_start3A_413 = arith.constant 5 : i32
        %dma_start3A_414 = arith.constant 0 : i32
        %dma_start3A_415 = arith.constant 0 : i32
        %dma_start3A_416 = tpu.memref_slice %arg6[%dma_start3A_412, %dma_start3A_414, %dma_start3A_415] : memref<7x128x128xf32, #tpu.memory_space<vmem>> -> memref<1x128x128xf32, #tpu.memory_space<vmem>>
        %dma_start3A_417 = tpu.memref_squeeze %dma_start3A_416 : memref<1x128x128xf32, #tpu.memory_space<vmem>> -> memref<128x128xf32, #tpu.memory_space<vmem>>
        %dma_start3A_418 = arith.constant 0 : i32
        %dma_start3A_419 = tpu.memref_slice %arg4[%add3A_411, %dma_start3A_418] : memref<204800x128xf32, #tpu.memory_space<hbm>> -> memref<128x128xf32, #tpu.memory_space<hbm>>
        %dma_start3A_420 = tpu.memref_slice %arg8[%dma_start3A_413] : memref<7x!tpu.dma_semaphore, #tpu.memory_space<semaphore_mem>> -> memref<1x!tpu.dma_semaphore, #tpu.memory_space<semaphore_mem>>
        %dma_start3A_421 = tpu.memref_squeeze %dma_start3A_420 : memref<1x!tpu.dma_semaphore, #tpu.memory_space<semaphore_mem>> -> memref<!tpu.dma_semaphore, #tpu.memory_space<semaphore_mem>>
        %dma_start3A_422 = arith.constant 0 : i32
        %dma_start3A_423 = tpu.memref_slice %arg4[%add3A_411, %dma_start3A_422] : memref<204800x128xf32, #tpu.memory_space<hbm>> -> memref<128x128xf32, #tpu.memory_space<hbm>>
        %dma_start3A_424 = arith.constant 0 : i32
        %dma_start3A_425 = arith.constant 0 : i32
        %dma_start3A_426 = tpu.memref_slice %arg6[%dma_start3A_412, %dma_start3A_424, %dma_start3A_425] : memref<7x128x128xf32, #tpu.memory_space<vmem>> -> memref<1x128x128xf32, #tpu.memory_space<vmem>>
        %dma_start3A_427 = tpu.memref_squeeze %dma_start3A_426 : memref<1x128x128xf32, #tpu.memory_space<vmem>> -> memref<128x128xf32, #tpu.memory_space<vmem>>
        tpu.enqueue_dma source(%dma_start3A_427 : memref<128x128xf32, #tpu.memory_space<vmem>>) target(%dma_start3A_423 : memref<128x128xf32, #tpu.memory_space<hbm>>) target_semaphore(%dma_start3A_421 : memref<!tpu.dma_semaphore, #tpu.memory_space<semaphore_mem>>)
      } else {
      }
      %sub3A_360 = arith.constant 2 : i32
      %sub3A_361 = arith.subi %add3A_354, %sub3A_360 : i32
      %ge3A_362 = arith.constant 0 : i32
      %ge3A_363 = arith.cmpi sge, %sub3A_361, %ge3A_362 : i32
      %add3A_364 = arith.constant 7 : i32
      %add3A_365 = arith.addi %sub3A_361, %add3A_364 : i32
      %lt3A_366 = arith.constant 50 : i32
      %lt3A_367 = arith.cmpi slt, %add3A_365, %lt3A_366 : i32
      %and3A_368 = arith.andi %ge3A_363, %lt3A_367 : i1
      %convert_element_type3A_369 = arith.extui %and3A_368 : i1 to i32
      %cond3A_370 = arith.constant 0 : i32
      %cond3A_371 = arith.cmpi ne, %convert_element_type3A_369, %cond3A_370 : i32
      scf.if %cond3A_371 {
        %mul3A_393 = arith.constant 4096 : i32
        %mul3A_394 = arith.muli %sub3A_361, %mul3A_393 : i32
        %mul3A_395 = arith.constant 128 : i32
        %mul3A_396 = arith.muli %add3A, %mul3A_395 : i32
        %add3A_397 = arith.addi %mul3A_394, %mul3A_396 : i32
        %dma_wait3A_398 = arith.constant 3 : i32
        %dma_wait3A_399 = arith.constant 3 : i32
        %dma_wait3A_400 = arith.constant 0 : i32
        %dma_wait3A_401 = arith.constant 0 : i32
        %dma_wait3A_402 = tpu.memref_slice %arg6[%dma_wait3A_398, %dma_wait3A_400, %dma_wait3A_401] : memref<7x128x128xf32, #tpu.memory_space<vmem>> -> memref<1x128x128xf32, #tpu.memory_space<vmem>>
        %dma_wait3A_403 = tpu.memref_squeeze %dma_wait3A_402 : memref<1x128x128xf32, #tpu.memory_space<vmem>> -> memref<128x128xf32, #tpu.memory_space<vmem>>
        %dma_wait3A_404 = arith.constant 0 : i32
        %dma_wait3A_405 = tpu.memref_slice %arg4[%add3A_397, %dma_wait3A_404] : memref<204800x128xf32, #tpu.memory_space<hbm>> -> memref<128x128xf32, #tpu.memory_space<hbm>>
        %dma_wait3A_406 = tpu.memref_slice %arg8[%dma_wait3A_399] : memref<7x!tpu.dma_semaphore, #tpu.memory_space<semaphore_mem>> -> memref<1x!tpu.dma_semaphore, #tpu.memory_space<semaphore_mem>>
        %dma_wait3A_407 = tpu.memref_squeeze %dma_wait3A_406 : memref<1x!tpu.dma_semaphore, #tpu.memory_space<semaphore_mem>> -> memref<!tpu.dma_semaphore, #tpu.memory_space<semaphore_mem>>
        %dma_wait3A_408 = arith.constant 0 : i32
        %dma_wait3A_409 = tpu.memref_slice %arg4[%add3A_397, %dma_wait3A_408] : memref<204800x128xf32, #tpu.memory_space<hbm>> -> memref<128x128xf32, #tpu.memory_space<hbm>>
        %dma_wait3A_410 = arith.constant 0 : i32
        %dma_wait3A_411 = arith.constant 0 : i32
        %dma_wait3A_412 = tpu.memref_slice %arg6[%dma_wait3A_398, %dma_wait3A_410, %dma_wait3A_411] : memref<7x128x128xf32, #tpu.memory_space<vmem>> -> memref<1x128x128xf32, #tpu.memory_space<vmem>>
        %dma_wait3A_413 = tpu.memref_squeeze %dma_wait3A_412 : memref<1x128x128xf32, #tpu.memory_space<vmem>> -> memref<128x128xf32, #tpu.memory_space<vmem>>
        tpu.wait_dma2 semaphore(%dma_wait3A_407 : memref<!tpu.dma_semaphore, #tpu.memory_space<semaphore_mem>>) src(%dma_wait3A_413 : memref<128x128xf32, #tpu.memory_space<vmem>>) dst(%dma_wait3A_409 : memref<128x128xf32, #tpu.memory_space<hbm>>)
        %add3A_414 = arith.constant 7 : i32
        %add3A_415 = arith.addi %sub3A_361, %add3A_414 : i32
        %dma_start3A_416 = arith.constant 3 : i32
        %dma_start3A_417 = arith.constant 3 : i32
        %dma_start3A_418 = arith.constant 0 : i32
        %dma_start3A_419 = arith.constant 0 : i32
        %dma_start3A_420 = tpu.memref_slice %arg6[%dma_start3A_416, %dma_start3A_418, %dma_start3A_419] : memref<7x128x128xf32, #tpu.memory_space<vmem>> -> memref<1x128x128xf32, #tpu.memory_space<vmem>>
        %dma_start3A_421 = tpu.memref_squeeze %dma_start3A_420 : memref<1x128x128xf32, #tpu.memory_space<vmem>> -> memref<128x128xf32, #tpu.memory_space<vmem>>
        %dma_start3A_422 = arith.constant 0 : i32
        %dma_start3A_423 = tpu.memref_slice %arg5[%add3A_415, %dma_start3A_422] : memref<50x128xi32, #tpu.memory_space<vmem>> -> memref<1x128xi32, #tpu.memory_space<vmem>>
        %dma_start3A_424 = tpu.memref_squeeze %dma_start3A_423 : memref<1x128xi32, #tpu.memory_space<vmem>> -> memref<128xi32, #tpu.memory_space<vmem>>
        %dma_start3A_425 = arith.constant 0 : i32
        %dma_start3A_426 = arith.constant 0 : i32
        %dma_start3A_427 = tpu.memref_slice %arg3[%dma_start3A_425, %dma_start3A_426] : memref<100000x128xf32, #tpu.memory_space<hbm>> -> memref<100000x128xf32, #tpu.memory_space<hbm>>
        %dma_start3A_428 = tpu.memref_slice %arg7[%dma_start3A_417] : memref<7x!tpu.dma_semaphore, #tpu.memory_space<semaphore_mem>> -> memref<1x!tpu.dma_semaphore, #tpu.memory_space<semaphore_mem>>
        %dma_start3A_429 = tpu.memref_squeeze %dma_start3A_428 : memref<1x!tpu.dma_semaphore, #tpu.memory_space<semaphore_mem>> -> memref<!tpu.dma_semaphore, #tpu.memory_space<semaphore_mem>>
        tpu.enqueue_indirect_dma source(%dma_start3A_427 : memref<100000x128xf32, #tpu.memory_space<hbm>>) target(%dma_start3A_421 : memref<128x128xf32, #tpu.memory_space<vmem>>) offsets(%dma_start3A_424 : memref<128xi32, #tpu.memory_space<vmem>>) semaphore(%dma_start3A_429 : memref<!tpu.dma_semaphore, #tpu.memory_space<semaphore_mem>>)
      } else {
      }
      %mul3A_372 = arith.constant 7 : i32
      %mul3A_373 = arith.muli %scan3A_251, %mul3A_372 : i32
      %add3A_374 = arith.constant 6 : i32
      %add3A_375 = arith.addi %mul3A_373, %add3A_374 : i32
      %lt3A_376 = arith.constant 50 : i32
      %lt3A_377 = arith.cmpi slt, %add3A_375, %lt3A_376 : i32
      %convert_element_type3A_378 = arith.extui %lt3A_377 : i1 to i32
      %cond3A_379 = arith.constant 0 : i32
      %cond3A_380 = arith.cmpi ne, %convert_element_type3A_378, %cond3A_379 : i32
      scf.if %cond3A_380 {
        %dma_wait3A_393 = arith.constant 6 : i32
        %dma_wait3A_394 = arith.constant 6 : i32
        %dma_wait3A_395 = arith.constant 0 : i32
        %dma_wait3A_396 = arith.constant 0 : i32
        %dma_wait3A_397 = tpu.memref_slice %arg6[%dma_wait3A_393, %dma_wait3A_395, %dma_wait3A_396] : memref<7x128x128xf32, #tpu.memory_space<vmem>> -> memref<1x128x128xf32, #tpu.memory_space<vmem>>
        %dma_wait3A_398 = tpu.memref_squeeze %dma_wait3A_397 : memref<1x128x128xf32, #tpu.memory_space<vmem>> -> memref<128x128xf32, #tpu.memory_space<vmem>>
        %dma_wait3A_399 = arith.constant 0 : i32
        %dma_wait3A_400 = tpu.memref_slice %arg5[%add3A_375, %dma_wait3A_399] : memref<50x128xi32, #tpu.memory_space<vmem>> -> memref<1x128xi32, #tpu.memory_space<vmem>>
        %dma_wait3A_401 = tpu.memref_squeeze %dma_wait3A_400 : memref<1x128xi32, #tpu.memory_space<vmem>> -> memref<128xi32, #tpu.memory_space<vmem>>
        %dma_wait3A_402 = arith.constant 0 : i32
        %dma_wait3A_403 = arith.constant 0 : i32
        %dma_wait3A_404 = tpu.memref_slice %arg3[%dma_wait3A_402, %dma_wait3A_403] : memref<100000x128xf32, #tpu.memory_space<hbm>> -> memref<100000x128xf32, #tpu.memory_space<hbm>>
        %dma_wait3A_405 = tpu.memref_slice %arg7[%dma_wait3A_394] : memref<7x!tpu.dma_semaphore, #tpu.memory_space<semaphore_mem>> -> memref<1x!tpu.dma_semaphore, #tpu.memory_space<semaphore_mem>>
        %dma_wait3A_406 = tpu.memref_squeeze %dma_wait3A_405 : memref<1x!tpu.dma_semaphore, #tpu.memory_space<semaphore_mem>> -> memref<!tpu.dma_semaphore, #tpu.memory_space<semaphore_mem>>
        tpu.wait_indirect_dma semaphore(%dma_wait3A_406 : memref<!tpu.dma_semaphore, #tpu.memory_space<semaphore_mem>>) src(%dma_wait3A_404 : memref<100000x128xf32, #tpu.memory_space<hbm>>) dst(%dma_wait3A_398 : memref<128x128xf32, #tpu.memory_space<vmem>>)
        %mul3A_407 = arith.constant 4096 : i32
        %mul3A_408 = arith.muli %add3A_375, %mul3A_407 : i32
        %mul3A_409 = arith.constant 128 : i32
        %mul3A_410 = arith.muli %add3A, %mul3A_409 : i32
        %add3A_411 = arith.addi %mul3A_408, %mul3A_410 : i32
        %dma_start3A_412 = arith.constant 6 : i32
        %dma_start3A_413 = arith.constant 6 : i32
        %dma_start3A_414 = arith.constant 0 : i32
        %dma_start3A_415 = arith.constant 0 : i32
        %dma_start3A_416 = tpu.memref_slice %arg6[%dma_start3A_412, %dma_start3A_414, %dma_start3A_415] : memref<7x128x128xf32, #tpu.memory_space<vmem>> -> memref<1x128x128xf32, #tpu.memory_space<vmem>>
        %dma_start3A_417 = tpu.memref_squeeze %dma_start3A_416 : memref<1x128x128xf32, #tpu.memory_space<vmem>> -> memref<128x128xf32, #tpu.memory_space<vmem>>
        %dma_start3A_418 = arith.constant 0 : i32
        %dma_start3A_419 = tpu.memref_slice %arg4[%add3A_411, %dma_start3A_418] : memref<204800x128xf32, #tpu.memory_space<hbm>> -> memref<128x128xf32, #tpu.memory_space<hbm>>
        %dma_start3A_420 = tpu.memref_slice %arg8[%dma_start3A_413] : memref<7x!tpu.dma_semaphore, #tpu.memory_space<semaphore_mem>> -> memref<1x!tpu.dma_semaphore, #tpu.memory_space<semaphore_mem>>
        %dma_start3A_421 = tpu.memref_squeeze %dma_start3A_420 : memref<1x!tpu.dma_semaphore, #tpu.memory_space<semaphore_mem>> -> memref<!tpu.dma_semaphore, #tpu.memory_space<semaphore_mem>>
        %dma_start3A_422 = arith.constant 0 : i32
        %dma_start3A_423 = tpu.memref_slice %arg4[%add3A_411, %dma_start3A_422] : memref<204800x128xf32, #tpu.memory_space<hbm>> -> memref<128x128xf32, #tpu.memory_space<hbm>>
        %dma_start3A_424 = arith.constant 0 : i32
        %dma_start3A_425 = arith.constant 0 : i32
        %dma_start3A_426 = tpu.memref_slice %arg6[%dma_start3A_412, %dma_start3A_424, %dma_start3A_425] : memref<7x128x128xf32, #tpu.memory_space<vmem>> -> memref<1x128x128xf32, #tpu.memory_space<vmem>>
        %dma_start3A_427 = tpu.memref_squeeze %dma_start3A_426 : memref<1x128x128xf32, #tpu.memory_space<vmem>> -> memref<128x128xf32, #tpu.memory_space<vmem>>
        tpu.enqueue_dma source(%dma_start3A_427 : memref<128x128xf32, #tpu.memory_space<vmem>>) target(%dma_start3A_423 : memref<128x128xf32, #tpu.memory_space<hbm>>) target_semaphore(%dma_start3A_421 : memref<!tpu.dma_semaphore, #tpu.memory_space<semaphore_mem>>)
      } else {
      }
      %sub3A_381 = arith.constant 2 : i32
      %sub3A_382 = arith.subi %add3A_375, %sub3A_381 : i32
      %ge3A_383 = arith.constant 0 : i32
      %ge3A_384 = arith.cmpi sge, %sub3A_382, %ge3A_383 : i32
      %add3A_385 = arith.constant 7 : i32
      %add3A_386 = arith.addi %sub3A_382, %add3A_385 : i32
      %lt3A_387 = arith.constant 50 : i32
      %lt3A_388 = arith.cmpi slt, %add3A_386, %lt3A_387 : i32
      %and3A_389 = arith.andi %ge3A_384, %lt3A_388 : i1
      %convert_element_type3A_390 = arith.extui %and3A_389 : i1 to i32
      %cond3A_391 = arith.constant 0 : i32
      %cond3A_392 = arith.cmpi ne, %convert_element_type3A_390, %cond3A_391 : i32
      scf.if %cond3A_392 {
        %mul3A_393 = arith.constant 4096 : i32
        %mul3A_394 = arith.muli %sub3A_382, %mul3A_393 : i32
        %mul3A_395 = arith.constant 128 : i32
        %mul3A_396 = arith.muli %add3A, %mul3A_395 : i32
        %add3A_397 = arith.addi %mul3A_394, %mul3A_396 : i32
        %dma_wait3A_398 = arith.constant 4 : i32
        %dma_wait3A_399 = arith.constant 4 : i32
        %dma_wait3A_400 = arith.constant 0 : i32
        %dma_wait3A_401 = arith.constant 0 : i32
        %dma_wait3A_402 = tpu.memref_slice %arg6[%dma_wait3A_398, %dma_wait3A_400, %dma_wait3A_401] : memref<7x128x128xf32, #tpu.memory_space<vmem>> -> memref<1x128x128xf32, #tpu.memory_space<vmem>>
        %dma_wait3A_403 = tpu.memref_squeeze %dma_wait3A_402 : memref<1x128x128xf32, #tpu.memory_space<vmem>> -> memref<128x128xf32, #tpu.memory_space<vmem>>
        %dma_wait3A_404 = arith.constant 0 : i32
        %dma_wait3A_405 = tpu.memref_slice %arg4[%add3A_397, %dma_wait3A_404] : memref<204800x128xf32, #tpu.memory_space<hbm>> -> memref<128x128xf32, #tpu.memory_space<hbm>>
        %dma_wait3A_406 = tpu.memref_slice %arg8[%dma_wait3A_399] : memref<7x!tpu.dma_semaphore, #tpu.memory_space<semaphore_mem>> -> memref<1x!tpu.dma_semaphore, #tpu.memory_space<semaphore_mem>>
        %dma_wait3A_407 = tpu.memref_squeeze %dma_wait3A_406 : memref<1x!tpu.dma_semaphore, #tpu.memory_space<semaphore_mem>> -> memref<!tpu.dma_semaphore, #tpu.memory_space<semaphore_mem>>
        %dma_wait3A_408 = arith.constant 0 : i32
        %dma_wait3A_409 = tpu.memref_slice %arg4[%add3A_397, %dma_wait3A_408] : memref<204800x128xf32, #tpu.memory_space<hbm>> -> memref<128x128xf32, #tpu.memory_space<hbm>>
        %dma_wait3A_410 = arith.constant 0 : i32
        %dma_wait3A_411 = arith.constant 0 : i32
        %dma_wait3A_412 = tpu.memref_slice %arg6[%dma_wait3A_398, %dma_wait3A_410, %dma_wait3A_411] : memref<7x128x128xf32, #tpu.memory_space<vmem>> -> memref<1x128x128xf32, #tpu.memory_space<vmem>>
        %dma_wait3A_413 = tpu.memref_squeeze %dma_wait3A_412 : memref<1x128x128xf32, #tpu.memory_space<vmem>> -> memref<128x128xf32, #tpu.memory_space<vmem>>
        tpu.wait_dma2 semaphore(%dma_wait3A_407 : memref<!tpu.dma_semaphore, #tpu.memory_space<semaphore_mem>>) src(%dma_wait3A_413 : memref<128x128xf32, #tpu.memory_space<vmem>>) dst(%dma_wait3A_409 : memref<128x128xf32, #tpu.memory_space<hbm>>)
        %add3A_414 = arith.constant 7 : i32
        %add3A_415 = arith.addi %sub3A_382, %add3A_414 : i32
        %dma_start3A_416 = arith.constant 4 : i32
        %dma_start3A_417 = arith.constant 4 : i32
        %dma_start3A_418 = arith.constant 0 : i32
        %dma_start3A_419 = arith.constant 0 : i32
        %dma_start3A_420 = tpu.memref_slice %arg6[%dma_start3A_416, %dma_start3A_418, %dma_start3A_419] : memref<7x128x128xf32, #tpu.memory_space<vmem>> -> memref<1x128x128xf32, #tpu.memory_space<vmem>>
        %dma_start3A_421 = tpu.memref_squeeze %dma_start3A_420 : memref<1x128x128xf32, #tpu.memory_space<vmem>> -> memref<128x128xf32, #tpu.memory_space<vmem>>
        %dma_start3A_422 = arith.constant 0 : i32
        %dma_start3A_423 = tpu.memref_slice %arg5[%add3A_415, %dma_start3A_422] : memref<50x128xi32, #tpu.memory_space<vmem>> -> memref<1x128xi32, #tpu.memory_space<vmem>>
        %dma_start3A_424 = tpu.memref_squeeze %dma_start3A_423 : memref<1x128xi32, #tpu.memory_space<vmem>> -> memref<128xi32, #tpu.memory_space<vmem>>
        %dma_start3A_425 = arith.constant 0 : i32
        %dma_start3A_426 = arith.constant 0 : i32
        %dma_start3A_427 = tpu.memref_slice %arg3[%dma_start3A_425, %dma_start3A_426] : memref<100000x128xf32, #tpu.memory_space<hbm>> -> memref<100000x128xf32, #tpu.memory_space<hbm>>
        %dma_start3A_428 = tpu.memref_slice %arg7[%dma_start3A_417] : memref<7x!tpu.dma_semaphore, #tpu.memory_space<semaphore_mem>> -> memref<1x!tpu.dma_semaphore, #tpu.memory_space<semaphore_mem>>
        %dma_start3A_429 = tpu.memref_squeeze %dma_start3A_428 : memref<1x!tpu.dma_semaphore, #tpu.memory_space<semaphore_mem>> -> memref<!tpu.dma_semaphore, #tpu.memory_space<semaphore_mem>>
        tpu.enqueue_indirect_dma source(%dma_start3A_427 : memref<100000x128xf32, #tpu.memory_space<hbm>>) target(%dma_start3A_421 : memref<128x128xf32, #tpu.memory_space<vmem>>) offsets(%dma_start3A_424 : memref<128xi32, #tpu.memory_space<vmem>>) semaphore(%dma_start3A_429 : memref<!tpu.dma_semaphore, #tpu.memory_space<semaphore_mem>>)
      } else {
      }
    }
    %scan3A_111 = arith.constant 8 : i32
    %mul3A_112 = arith.constant 128 : i32
    %mul3A_113 = arith.muli %add3A, %mul3A_112 : i32
    %add3A_114 = arith.constant 176128 : i32
    %add3A_115 = arith.addi %add3A_114, %mul3A_113 : i32
    %dma_wait3A = arith.constant 1 : i32
    %dma_wait3A_116 = arith.constant 1 : i32
    %dma_wait3A_117 = arith.constant 0 : i32
    %dma_wait3A_118 = arith.constant 0 : i32
    %dma_wait3A_119 = tpu.memref_slice %arg6[%dma_wait3A, %dma_wait3A_117, %dma_wait3A_118] : memref<7x128x128xf32, #tpu.memory_space<vmem>> -> memref<1x128x128xf32, #tpu.memory_space<vmem>>
    %dma_wait3A_120 = tpu.memref_squeeze %dma_wait3A_119 : memref<1x128x128xf32, #tpu.memory_space<vmem>> -> memref<128x128xf32, #tpu.memory_space<vmem>>
    %dma_wait3A_121 = arith.constant 0 : i32
    %dma_wait3A_122 = tpu.memref_slice %arg4[%add3A_115, %dma_wait3A_121] : memref<204800x128xf32, #tpu.memory_space<hbm>> -> memref<128x128xf32, #tpu.memory_space<hbm>>
    %dma_wait3A_123 = tpu.memref_slice %arg8[%dma_wait3A_116] : memref<7x!tpu.dma_semaphore, #tpu.memory_space<semaphore_mem>> -> memref<1x!tpu.dma_semaphore, #tpu.memory_space<semaphore_mem>>
    %dma_wait3A_124 = tpu.memref_squeeze %dma_wait3A_123 : memref<1x!tpu.dma_semaphore, #tpu.memory_space<semaphore_mem>> -> memref<!tpu.dma_semaphore, #tpu.memory_space<semaphore_mem>>
    %dma_wait3A_125 = arith.constant 0 : i32
    %dma_wait3A_126 = tpu.memref_slice %arg4[%add3A_115, %dma_wait3A_125] : memref<204800x128xf32, #tpu.memory_space<hbm>> -> memref<128x128xf32, #tpu.memory_space<hbm>>
    %dma_wait3A_127 = arith.constant 0 : i32
    %dma_wait3A_128 = arith.constant 0 : i32
    %dma_wait3A_129 = tpu.memref_slice %arg6[%dma_wait3A, %dma_wait3A_127, %dma_wait3A_128] : memref<7x128x128xf32, #tpu.memory_space<vmem>> -> memref<1x128x128xf32, #tpu.memory_space<vmem>>
    %dma_wait3A_130 = tpu.memref_squeeze %dma_wait3A_129 : memref<1x128x128xf32, #tpu.memory_space<vmem>> -> memref<128x128xf32, #tpu.memory_space<vmem>>
    tpu.wait_dma2 semaphore(%dma_wait3A_124 : memref<!tpu.dma_semaphore, #tpu.memory_space<semaphore_mem>>) src(%dma_wait3A_130 : memref<128x128xf32, #tpu.memory_space<vmem>>) dst(%dma_wait3A_126 : memref<128x128xf32, #tpu.memory_space<hbm>>)
    %mul3A_131 = arith.constant 128 : i32
    %mul3A_132 = arith.muli %add3A, %mul3A_131 : i32
    %add3A_133 = arith.constant 180224 : i32
    %add3A_134 = arith.addi %add3A_133, %mul3A_132 : i32
    %dma_wait3A_135 = arith.constant 2 : i32
    %dma_wait3A_136 = arith.constant 2 : i32
    %dma_wait3A_137 = arith.constant 0 : i32
    %dma_wait3A_138 = arith.constant 0 : i32
    %dma_wait3A_139 = tpu.memref_slice %arg6[%dma_wait3A_135, %dma_wait3A_137, %dma_wait3A_138] : memref<7x128x128xf32, #tpu.memory_space<vmem>> -> memref<1x128x128xf32, #tpu.memory_space<vmem>>
    %dma_wait3A_140 = tpu.memref_squeeze %dma_wait3A_139 : memref<1x128x128xf32, #tpu.memory_space<vmem>> -> memref<128x128xf32, #tpu.memory_space<vmem>>
    %dma_wait3A_141 = arith.constant 0 : i32
    %dma_wait3A_142 = tpu.memref_slice %arg4[%add3A_134, %dma_wait3A_141] : memref<204800x128xf32, #tpu.memory_space<hbm>> -> memref<128x128xf32, #tpu.memory_space<hbm>>
    %dma_wait3A_143 = tpu.memref_slice %arg8[%dma_wait3A_136] : memref<7x!tpu.dma_semaphore, #tpu.memory_space<semaphore_mem>> -> memref<1x!tpu.dma_semaphore, #tpu.memory_space<semaphore_mem>>
    %dma_wait3A_144 = tpu.memref_squeeze %dma_wait3A_143 : memref<1x!tpu.dma_semaphore, #tpu.memory_space<semaphore_mem>> -> memref<!tpu.dma_semaphore, #tpu.memory_space<semaphore_mem>>
    %dma_wait3A_145 = arith.constant 0 : i32
    %dma_wait3A_146 = tpu.memref_slice %arg4[%add3A_134, %dma_wait3A_145] : memref<204800x128xf32, #tpu.memory_space<hbm>> -> memref<128x128xf32, #tpu.memory_space<hbm>>
    %dma_wait3A_147 = arith.constant 0 : i32
    %dma_wait3A_148 = arith.constant 0 : i32
    %dma_wait3A_149 = tpu.memref_slice %arg6[%dma_wait3A_135, %dma_wait3A_147, %dma_wait3A_148] : memref<7x128x128xf32, #tpu.memory_space<vmem>> -> memref<1x128x128xf32, #tpu.memory_space<vmem>>
    %dma_wait3A_150 = tpu.memref_squeeze %dma_wait3A_149 : memref<1x128x128xf32, #tpu.memory_space<vmem>> -> memref<128x128xf32, #tpu.memory_space<vmem>>
    tpu.wait_dma2 semaphore(%dma_wait3A_144 : memref<!tpu.dma_semaphore, #tpu.memory_space<semaphore_mem>>) src(%dma_wait3A_150 : memref<128x128xf32, #tpu.memory_space<vmem>>) dst(%dma_wait3A_146 : memref<128x128xf32, #tpu.memory_space<hbm>>)
    %mul3A_151 = arith.constant 128 : i32
    %mul3A_152 = arith.muli %add3A, %mul3A_151 : i32
    %add3A_153 = arith.constant 184320 : i32
    %add3A_154 = arith.addi %add3A_153, %mul3A_152 : i32
    %dma_wait3A_155 = arith.constant 3 : i32
    %dma_wait3A_156 = arith.constant 3 : i32
    %dma_wait3A_157 = arith.constant 0 : i32
    %dma_wait3A_158 = arith.constant 0 : i32
    %dma_wait3A_159 = tpu.memref_slice %arg6[%dma_wait3A_155, %dma_wait3A_157, %dma_wait3A_158] : memref<7x128x128xf32, #tpu.memory_space<vmem>> -> memref<1x128x128xf32, #tpu.memory_space<vmem>>
    %dma_wait3A_160 = tpu.memref_squeeze %dma_wait3A_159 : memref<1x128x128xf32, #tpu.memory_space<vmem>> -> memref<128x128xf32, #tpu.memory_space<vmem>>
    %dma_wait3A_161 = arith.constant 0 : i32
    %dma_wait3A_162 = tpu.memref_slice %arg4[%add3A_154, %dma_wait3A_161] : memref<204800x128xf32, #tpu.memory_space<hbm>> -> memref<128x128xf32, #tpu.memory_space<hbm>>
    %dma_wait3A_163 = tpu.memref_slice %arg8[%dma_wait3A_156] : memref<7x!tpu.dma_semaphore, #tpu.memory_space<semaphore_mem>> -> memref<1x!tpu.dma_semaphore, #tpu.memory_space<semaphore_mem>>
    %dma_wait3A_164 = tpu.memref_squeeze %dma_wait3A_163 : memref<1x!tpu.dma_semaphore, #tpu.memory_space<semaphore_mem>> -> memref<!tpu.dma_semaphore, #tpu.memory_space<semaphore_mem>>
    %dma_wait3A_165 = arith.constant 0 : i32
    %dma_wait3A_166 = tpu.memref_slice %arg4[%add3A_154, %dma_wait3A_165] : memref<204800x128xf32, #tpu.memory_space<hbm>> -> memref<128x128xf32, #tpu.memory_space<hbm>>
    %dma_wait3A_167 = arith.constant 0 : i32
    %dma_wait3A_168 = arith.constant 0 : i32
    %dma_wait3A_169 = tpu.memref_slice %arg6[%dma_wait3A_155, %dma_wait3A_167, %dma_wait3A_168] : memref<7x128x128xf32, #tpu.memory_space<vmem>> -> memref<1x128x128xf32, #tpu.memory_space<vmem>>
    %dma_wait3A_170 = tpu.memref_squeeze %dma_wait3A_169 : memref<1x128x128xf32, #tpu.memory_space<vmem>> -> memref<128x128xf32, #tpu.memory_space<vmem>>
    tpu.wait_dma2 semaphore(%dma_wait3A_164 : memref<!tpu.dma_semaphore, #tpu.memory_space<semaphore_mem>>) src(%dma_wait3A_170 : memref<128x128xf32, #tpu.memory_space<vmem>>) dst(%dma_wait3A_166 : memref<128x128xf32, #tpu.memory_space<hbm>>)
    %mul3A_171 = arith.constant 128 : i32
    %mul3A_172 = arith.muli %add3A, %mul3A_171 : i32
    %add3A_173 = arith.constant 188416 : i32
    %add3A_174 = arith.addi %add3A_173, %mul3A_172 : i32
    %dma_wait3A_175 = arith.constant 4 : i32
    %dma_wait3A_176 = arith.constant 4 : i32
    %dma_wait3A_177 = arith.constant 0 : i32
    %dma_wait3A_178 = arith.constant 0 : i32
    %dma_wait3A_179 = tpu.memref_slice %arg6[%dma_wait3A_175, %dma_wait3A_177, %dma_wait3A_178] : memref<7x128x128xf32, #tpu.memory_space<vmem>> -> memref<1x128x128xf32, #tpu.memory_space<vmem>>
    %dma_wait3A_180 = tpu.memref_squeeze %dma_wait3A_179 : memref<1x128x128xf32, #tpu.memory_space<vmem>> -> memref<128x128xf32, #tpu.memory_space<vmem>>
    %dma_wait3A_181 = arith.constant 0 : i32
    %dma_wait3A_182 = tpu.memref_slice %arg4[%add3A_174, %dma_wait3A_181] : memref<204800x128xf32, #tpu.memory_space<hbm>> -> memref<128x128xf32, #tpu.memory_space<hbm>>
    %dma_wait3A_183 = tpu.memref_slice %arg8[%dma_wait3A_176] : memref<7x!tpu.dma_semaphore, #tpu.memory_space<semaphore_mem>> -> memref<1x!tpu.dma_semaphore, #tpu.memory_space<semaphore_mem>>
    %dma_wait3A_184 = tpu.memref_squeeze %dma_wait3A_183 : memref<1x!tpu.dma_semaphore, #tpu.memory_space<semaphore_mem>> -> memref<!tpu.dma_semaphore, #tpu.memory_space<semaphore_mem>>
    %dma_wait3A_185 = arith.constant 0 : i32
    %dma_wait3A_186 = tpu.memref_slice %arg4[%add3A_174, %dma_wait3A_185] : memref<204800x128xf32, #tpu.memory_space<hbm>> -> memref<128x128xf32, #tpu.memory_space<hbm>>
    %dma_wait3A_187 = arith.constant 0 : i32
    %dma_wait3A_188 = arith.constant 0 : i32
    %dma_wait3A_189 = tpu.memref_slice %arg6[%dma_wait3A_175, %dma_wait3A_187, %dma_wait3A_188] : memref<7x128x128xf32, #tpu.memory_space<vmem>> -> memref<1x128x128xf32, #tpu.memory_space<vmem>>
    %dma_wait3A_190 = tpu.memref_squeeze %dma_wait3A_189 : memref<1x128x128xf32, #tpu.memory_space<vmem>> -> memref<128x128xf32, #tpu.memory_space<vmem>>
    tpu.wait_dma2 semaphore(%dma_wait3A_184 : memref<!tpu.dma_semaphore, #tpu.memory_space<semaphore_mem>>) src(%dma_wait3A_190 : memref<128x128xf32, #tpu.memory_space<vmem>>) dst(%dma_wait3A_186 : memref<128x128xf32, #tpu.memory_space<hbm>>)
    %mul3A_191 = arith.constant 128 : i32
    %mul3A_192 = arith.muli %add3A, %mul3A_191 : i32
    %add3A_193 = arith.constant 192512 : i32
    %add3A_194 = arith.addi %add3A_193, %mul3A_192 : i32
    %dma_wait3A_195 = arith.constant 5 : i32
    %dma_wait3A_196 = arith.constant 5 : i32
    %dma_wait3A_197 = arith.constant 0 : i32
    %dma_wait3A_198 = arith.constant 0 : i32
    %dma_wait3A_199 = tpu.memref_slice %arg6[%dma_wait3A_195, %dma_wait3A_197, %dma_wait3A_198] : memref<7x128x128xf32, #tpu.memory_space<vmem>> -> memref<1x128x128xf32, #tpu.memory_space<vmem>>
    %dma_wait3A_200 = tpu.memref_squeeze %dma_wait3A_199 : memref<1x128x128xf32, #tpu.memory_space<vmem>> -> memref<128x128xf32, #tpu.memory_space<vmem>>
    %dma_wait3A_201 = arith.constant 0 : i32
    %dma_wait3A_202 = tpu.memref_slice %arg4[%add3A_194, %dma_wait3A_201] : memref<204800x128xf32, #tpu.memory_space<hbm>> -> memref<128x128xf32, #tpu.memory_space<hbm>>
    %dma_wait3A_203 = tpu.memref_slice %arg8[%dma_wait3A_196] : memref<7x!tpu.dma_semaphore, #tpu.memory_space<semaphore_mem>> -> memref<1x!tpu.dma_semaphore, #tpu.memory_space<semaphore_mem>>
    %dma_wait3A_204 = tpu.memref_squeeze %dma_wait3A_203 : memref<1x!tpu.dma_semaphore, #tpu.memory_space<semaphore_mem>> -> memref<!tpu.dma_semaphore, #tpu.memory_space<semaphore_mem>>
    %dma_wait3A_205 = arith.constant 0 : i32
    %dma_wait3A_206 = tpu.memref_slice %arg4[%add3A_194, %dma_wait3A_205] : memref<204800x128xf32, #tpu.memory_space<hbm>> -> memref<128x128xf32, #tpu.memory_space<hbm>>
    %dma_wait3A_207 = arith.constant 0 : i32
    %dma_wait3A_208 = arith.constant 0 : i32
    %dma_wait3A_209 = tpu.memref_slice %arg6[%dma_wait3A_195, %dma_wait3A_207, %dma_wait3A_208] : memref<7x128x128xf32, #tpu.memory_space<vmem>> -> memref<1x128x128xf32, #tpu.memory_space<vmem>>
    %dma_wait3A_210 = tpu.memref_squeeze %dma_wait3A_209 : memref<1x128x128xf32, #tpu.memory_space<vmem>> -> memref<128x128xf32, #tpu.memory_space<vmem>>
    tpu.wait_dma2 semaphore(%dma_wait3A_204 : memref<!tpu.dma_semaphore, #tpu.memory_space<semaphore_mem>>) src(%dma_wait3A_210 : memref<128x128xf32, #tpu.memory_space<vmem>>) dst(%dma_wait3A_206 : memref<128x128xf32, #tpu.memory_space<hbm>>)
    %mul3A_211 = arith.constant 128 : i32
    %mul3A_212 = arith.muli %add3A, %mul3A_211 : i32
    %add3A_213 = arith.constant 196608 : i32
    %add3A_214 = arith.addi %add3A_213, %mul3A_212 : i32
    %dma_wait3A_215 = arith.constant 6 : i32
    %dma_wait3A_216 = arith.constant 6 : i32
    %dma_wait3A_217 = arith.constant 0 : i32
    %dma_wait3A_218 = arith.constant 0 : i32
    %dma_wait3A_219 = tpu.memref_slice %arg6[%dma_wait3A_215, %dma_wait3A_217, %dma_wait3A_218] : memref<7x128x128xf32, #tpu.memory_space<vmem>> -> memref<1x128x128xf32, #tpu.memory_space<vmem>>
    %dma_wait3A_220 = tpu.memref_squeeze %dma_wait3A_219 : memref<1x128x128xf32, #tpu.memory_space<vmem>> -> memref<128x128xf32, #tpu.memory_space<vmem>>
    %dma_wait3A_221 = arith.constant 0 : i32
    %dma_wait3A_222 = tpu.memref_slice %arg4[%add3A_214, %dma_wait3A_221] : memref<204800x128xf32, #tpu.memory_space<hbm>> -> memref<128x128xf32, #tpu.memory_space<hbm>>
    %dma_wait3A_223 = tpu.memref_slice %arg8[%dma_wait3A_216] : memref<7x!tpu.dma_semaphore, #tpu.memory_space<semaphore_mem>> -> memref<1x!tpu.dma_semaphore, #tpu.memory_space<semaphore_mem>>
    %dma_wait3A_224 = tpu.memref_squeeze %dma_wait3A_223 : memref<1x!tpu.dma_semaphore, #tpu.memory_space<semaphore_mem>> -> memref<!tpu.dma_semaphore, #tpu.memory_space<semaphore_mem>>
    %dma_wait3A_225 = arith.constant 0 : i32
    %dma_wait3A_226 = tpu.memref_slice %arg4[%add3A_214, %dma_wait3A_225] : memref<204800x128xf32, #tpu.memory_space<hbm>> -> memref<128x128xf32, #tpu.memory_space<hbm>>
    %dma_wait3A_227 = arith.constant 0 : i32
    %dma_wait3A_228 = arith.constant 0 : i32
    %dma_wait3A_229 = tpu.memref_slice %arg6[%dma_wait3A_215, %dma_wait3A_227, %dma_wait3A_228] : memref<7x128x128xf32, #tpu.memory_space<vmem>> -> memref<1x128x128xf32, #tpu.memory_space<vmem>>
    %dma_wait3A_230 = tpu.memref_squeeze %dma_wait3A_229 : memref<1x128x128xf32, #tpu.memory_space<vmem>> -> memref<128x128xf32, #tpu.memory_space<vmem>>
    tpu.wait_dma2 semaphore(%dma_wait3A_224 : memref<!tpu.dma_semaphore, #tpu.memory_space<semaphore_mem>>) src(%dma_wait3A_230 : memref<128x128xf32, #tpu.memory_space<vmem>>) dst(%dma_wait3A_226 : memref<128x128xf32, #tpu.memory_space<hbm>>)
    %mul3A_231 = arith.constant 128 : i32
    %mul3A_232 = arith.muli %add3A, %mul3A_231 : i32
    %add3A_233 = arith.constant 200704 : i32
    %add3A_234 = arith.addi %add3A_233, %mul3A_232 : i32
    %dma_wait3A_235 = arith.constant 0 : i32
    %dma_wait3A_236 = arith.constant 0 : i32
    %dma_wait3A_237 = arith.constant 0 : i32
    %dma_wait3A_238 = arith.constant 0 : i32
    %dma_wait3A_239 = tpu.memref_slice %arg6[%dma_wait3A_235, %dma_wait3A_237, %dma_wait3A_238] : memref<7x128x128xf32, #tpu.memory_space<vmem>> -> memref<1x128x128xf32, #tpu.memory_space<vmem>>
    %dma_wait3A_240 = tpu.memref_squeeze %dma_wait3A_239 : memref<1x128x128xf32, #tpu.memory_space<vmem>> -> memref<128x128xf32, #tpu.memory_space<vmem>>
    %dma_wait3A_241 = arith.constant 0 : i32
    %dma_wait3A_242 = tpu.memref_slice %arg4[%add3A_234, %dma_wait3A_241] : memref<204800x128xf32, #tpu.memory_space<hbm>> -> memref<128x128xf32, #tpu.memory_space<hbm>>
    %dma_wait3A_243 = tpu.memref_slice %arg8[%dma_wait3A_236] : memref<7x!tpu.dma_semaphore, #tpu.memory_space<semaphore_mem>> -> memref<1x!tpu.dma_semaphore, #tpu.memory_space<semaphore_mem>>
    %dma_wait3A_244 = tpu.memref_squeeze %dma_wait3A_243 : memref<1x!tpu.dma_semaphore, #tpu.memory_space<semaphore_mem>> -> memref<!tpu.dma_semaphore, #tpu.memory_space<semaphore_mem>>
    %dma_wait3A_245 = arith.constant 0 : i32
    %dma_wait3A_246 = tpu.memref_slice %arg4[%add3A_234, %dma_wait3A_245] : memref<204800x128xf32, #tpu.memory_space<hbm>> -> memref<128x128xf32, #tpu.memory_space<hbm>>
    %dma_wait3A_247 = arith.constant 0 : i32
    %dma_wait3A_248 = arith.constant 0 : i32
    %dma_wait3A_249 = tpu.memref_slice %arg6[%dma_wait3A_235, %dma_wait3A_247, %dma_wait3A_248] : memref<7x128x128xf32, #tpu.memory_space<vmem>> -> memref<1x128x128xf32, #tpu.memory_space<vmem>>
    %dma_wait3A_250 = tpu.memref_squeeze %dma_wait3A_249 : memref<1x128x128xf32, #tpu.memory_space<vmem>> -> memref<128x128xf32, #tpu.memory_space<vmem>>
    tpu.wait_dma2 semaphore(%dma_wait3A_244 : memref<!tpu.dma_semaphore, #tpu.memory_space<semaphore_mem>>) src(%dma_wait3A_250 : memref<128x128xf32, #tpu.memory_space<vmem>>) dst(%dma_wait3A_246 : memref<128x128xf32, #tpu.memory_space<hbm>>)
    return
  }
}

</mosaic_0001>

<sc_bundles>
// kernel: _embed.3.cloned.1.call-start
scs
__scs_entry_jumppad:
0x0: {  	(pc) =	sbr.rel $0x88, $3  }
0x1: {  	(tag) =	ssettag $0x0;
	lr =	simm.s32 $0x1  }
0x2: {  	[smem:$0x3F9F] =	sst lr;
	_ =	strace $0xD0000000  }
0x3: {  	_ = 	snop  }
0x4: {  	_ = 	snop  }
0x5: {  	_ = 	snop  }
0x6: {  	_ = 	snop  }
0x7: {  	_ = 	snop  }
__scs_overlays_trampoline_lowered:
0x8: {  	[smem:$0x3FAE] =	sst s0  }
0x9: {  	[smem:$0x3FAF] =	sst s1  }
0xa: {  	[smem:$0x3FB0] =	sst s2  }
0xb: {  	[smem:$0x3FB1] =	sst s3  }
0xc: {  	[smem:$0x3FB2] =	sst s4  }
0xd: {  	[smem:$0x3FB3] =	sst s5  }
0xe: {  	[smem:$0x3FB4] =	sst s6  }
0xf: {  	[smem:$0x3FB5] =	sst s7  }
0x10: {  	[smem:$0x3FB6] =	sst s8  }
0x11: {  	[smem:$0x3FB7] =	sst s9;
	s0 =	simm.s32 @!p0 $0x0  }
0x12: {  	s1 =	sld [smem:$0x3F9D];
	s0 =	simm.s32 @p0 $0x1  }
0x13: {  	[smem:$0x3FB8] =	sst s0;
	s0 =	simm.s32 @!p1 $0x0  }
0x14: {  	s2 =	sld [smem:$0x3F9C];
	s0 =	simm.s32 @p1 $0x1  }
0x15: {  	[smem:$0x3FB9] =	sst s0;
	s0 =	simm.s32 @!p2 $0x0  }
0x16: {  	s3 =	sld [smem:$0x3FDB];
	s0 =	simm.s32 @p2 $0x1  }
0x17: {  	s4 =	simm.s32 $0x1BF5;
	[smem:$0x3FBB] =	sst s0  }
0x18: {  	s0 =	sld [smem:$0x3F9E];
	_ =	swait.ge [sflag:s4], $0x0  }
0x19: {  	s7 =	sld [smem:$0x3F9F]  }
0x1a: {  	s8 =	sadd.s32 $0xFFFFE003, lr  }
0x1b: {  	s9 =	sadd.s32 $0xFFFFFEF7, lr;
	s5 =	simm.s32 $0xFFFFFFFF;
	p2 =	slt.u32 s8, $0xFFFFF086  }
0x1c: {  	p1 =	slt.u32 s9, $0xF7A;
	s5 =	simm.s32 @!p2 $0x0  }
0x1d: {  	s5 =	simm.s32 @p1 $0x1;
	p0 =	seq.s32 s7, s2  }
0x1e: {  	s7 =	smul.u32 @!p0 $0xF7A, s2;
	p2 =	seq.s32 @!p0 s5, $0x0  }
0x1f: {  	s9 =	smul.u32 $0xF7A, s1;
	s8 =	simm.s32 @!p0 $0x1BF5;
	p2 =	por !p2, p0  }
0x20: {  	[sflag:s8] =	ssyncset.s32 @!p0 $0xFFFFF086;
	s6 =	sadd.s32 @!p0 s3, s7;
	s7 =	simm.s32 @!p0 $0x108  }
0x21: {  	s3 =	sadd.s32 s3, s9;
	s6 =	sadd.s32 @!p0 $0x88, s6;
	s7 =	simm.s32 @p2 $0x1082  }
0x22: {  	[simem:s7], [sflag:s8] =	dma.local @!p0 [hbm:s6], $0xF7A  }
0x23: {  	s9 =	sor.u32 $0xD0000000, s2;
	s6 =	simm.s32 $0x108;
	_ =	swait.ge @!p0 [sflag:s8], $0x0  }
0x24: {  	s3 =	sadd.s32 $0x88, s3;
	s6 =	simm.s32 @!p1 $0x1082;
	[sflag:s4] =	ssyncset.s32 $0xFFFFF086  }
0x25: {  	[simem:s6], [sflag:s4] =	dma.local [hbm:s3], $0xF7A  }
0x26: {  	[smem:$0x3F9F] =	sst s1;
	(tag) =	ssettag s2;
	_ =	strace s9  }
0x27: {  	s1 =	sld [smem:$0x3FAF]  }
0x28: {  	s2 =	sld [smem:$0x3FB0]  }
0x29: {  	s4 =	sld [smem:$0x3FB2]  }
0x2a: {  	p0 =	seq.s32 s5, $0x0;
	s5 =	sld [smem:$0x3FB3]  }
0x2b: {  	s6 =	sld [smem:$0x3FB4]  }
0x2c: {  	s7 =	sld [smem:$0x3FB5]  }
0x2d: {  	s3 =	simm.s32 $0x108;
	s8 =	sld [smem:$0x3FB6]  }
0x2e: {  	s3 =	simm.s32 @!p0 $0x1082;
	s9 =	sld [smem:$0x3FB7]  }
0x2f: {  	lr =	sadd.s32 s0, s3;
	s0 =	sld [smem:$0x3FAE]  }
0x30: {  	s3 =	sld [smem:$0x3FB1]  }
0x31: {  	[smem:$0x3FBA] =	sst s10  }
0x32: {  	s10 =	sld [smem:$0x3FB8];
	_ =	sdelay $0x3  }
0x33: {  	p0 =	seq.s32 s10, $0x1;
	s10 =	sld [smem:$0x3FBA];
	_ =	sdelay $0x3  }
0x34: {  	[smem:$0x3FBA] =	sst s10  }
0x35: {  	s10 =	sld [smem:$0x3FB9];
	_ =	sdelay $0x3  }
0x36: {  	p1 =	seq.s32 s10, $0x1;
	s10 =	sld [smem:$0x3FBA];
	_ =	sdelay $0x3  }
0x37: {  	[smem:$0x3FBA] =	sst s10  }
0x38: {  	s10 =	sld [smem:$0x3FBB]  }
0x39: {  	_ = 	snop;
	(pc) =	sbr.ind lr, $3  }
0x3a: {  	_ = 	snop  }
0x3b: {  	_ = 	snop  }
0x3c: {  	p2 =	seq.s32 s10, $0x1;
	s10 =	sld [smem:$0x3FBA]  }
0x3d: {  	_ =	shalt  }
0x3e: {  	_ =	shalt  }
0x3f: {  	_ =	shalt  }
0x40: {  	_ =	shalt  }
0x41: {  	_ =	shalt  }
0x42: {  	_ =	shalt  }
0x43: {  	_ =	shalt  }
0x44: {  	_ =	shalt  }
0x45: {  	_ =	shalt  }
0x46: {  	_ =	shalt  }
0x47: {  	_ =	shalt  }
0x48: {  	_ =	shalt  }
0x49: {  	_ =	shalt  }
0x4a: {  	_ =	shalt  }
0x4b: {  	_ =	shalt  }
0x4c: {  	_ =	shalt  }
0x4d: {  	_ =	shalt  }
0x4e: {  	_ =	shalt  }
0x4f: {  	_ =	shalt  }
0x50: {  	_ =	shalt  }
0x51: {  	_ =	shalt  }
0x52: {  	_ =	shalt  }
0x53: {  	_ =	shalt  }
0x54: {  	_ =	shalt  }
0x55: {  	_ =	shalt  }
0x56: {  	_ =	shalt  }
0x57: {  	_ =	shalt  }
0x58: {  	_ =	shalt  }
0x59: {  	_ =	shalt  }
0x5a: {  	_ =	shalt  }
0x5b: {  	_ =	shalt  }
0x5c: {  	_ =	shalt  }
0x5d: {  	_ =	shalt  }
0x5e: {  	_ =	shalt  }
0x5f: {  	_ =	shalt  }
0x60: {  	_ =	shalt  }
0x61: {  	_ =	shalt  }
0x62: {  	_ =	shalt  }
0x63: {  	_ =	shalt  }
0x64: {  	_ =	shalt  }
0x65: {  	_ =	shalt  }
0x66: {  	_ =	shalt  }
0x67: {  	_ =	shalt  }
0x68: {  	_ =	shalt  }
0x69: {  	_ =	shalt  }
0x6a: {  	_ =	shalt  }
0x6b: {  	_ =	shalt  }
0x6c: {  	_ =	shalt  }
0x6d: {  	_ =	shalt  }
0x6e: {  	_ =	shalt  }
0x6f: {  	_ =	shalt  }
0x70: {  	_ =	shalt  }
0x71: {  	_ =	shalt  }
0x72: {  	_ =	shalt  }
0x73: {  	_ =	shalt  }
0x74: {  	_ =	shalt  }
0x75: {  	_ =	shalt  }
0x76: {  	_ =	shalt  }
0x77: {  	_ =	shalt  }
0x78: {  	_ =	shalt  }
0x79: {  	_ =	shalt  }
0x7a: {  	_ =	shalt  }
0x7b: {  	_ =	shalt  }
0x7c: {  	_ =	shalt  }
0x7d: {  	_ =	shalt  }
0x7e: {  	_ =	shalt  }
0x7f: {  	_ =	shalt  }
0x80: {  	_ =	shalt  }
0x81: {  	_ =	shalt  }
0x82: {  	_ =	shalt  }
0x83: {  	_ =	shalt  }
0x84: {  	_ =	shalt  }
0x85: {  	_ =	shalt  }
0x86: {  	_ =	shalt  }
0x87: {  	_ =	shalt  }
.Lfunc_end0:
.L_simem_size_0:
called_computation_lowered:
.L_overlay_start_0:
0x88: {  	s2 =	sld [smem:$0x3FD9]  }
0x89: {  	s3 =	sld [smem:$0x3FFE];
	_ =	sdelay $0x1  }
0x8a: {  	s1 =	srdreg.scid  }
0x8b: {  	s0 =	sand.u32 $0x1, s1  }
0x8c: {  	s18 =	sshll.u32 s0, $0xA;
	s2 =	sadd.s32 s3, s2  }
0x8d: {  	s2 =	sadd.s32 s2, s18  }
0x8e: {  	[smem:$0x3FC6] =	sst s2  }
0x8f: {  	_ = 	snop  }
0x90: {  	s2 =	sld [smem:$0x3FC9]  }
0x91: {  	s19 =	sld [smem:$0x3FC8]  }
0x92: {  	s4 =	sld [smem:$0x3FD0];
	(tm) =	ssettm $0x1  }
0x93: {  	s5 =	sld [smem:$0x3FFB];
	_ =	sdelay $0x3  }
0x94: {  	_ =	strace s5  }
0x95: {  	s5 =	sld [smem:$0x3FFC];
	_ =	sdelay $0x3  }
0x96: {  	_ =	strace s5  }
0x97: {  	s5 =	sld [smem:$0x3FFD];
	_ =	sdelay $0x3  }
0x98: {  	_ =	strace s5  }
0x99: {  	_ =	strace $0x8FFFFFFF  }
0x9a: {  	s20 =	sld [smem:$0x3FDB];
	_ =	sdelay $0x1  }
0x9b: {  	s6 =	simm.s32 $_scs_section_size  }
0x9c: {  	s7 =	simm.s32 $_size__tile_overlayer_lowered;
	s8 =	simm.s32 $_tile_overlayer_lowered  }
0x9d: {  	s23 =	simm.s32 $0x1BFF;
	s22 =	sshll.u32 s8, $0x1;
	s5 =	sadd.s32 s6, s20  }
0x9e: {  	s9 =	simm.s32 $0x0;
	s21 =	sshll.u32 s7, $0x1;
	s7 =	sadd.s32 s22, s5  }
0x9f: {  	[timem:s9], [sflag:s23] =	dma.local [hbm:s7], s21  }
0xa0: {  	_ =	swait.ge [sflag:s23], s21  }
0xa1: {  	s6 =	ssub.s32 $0x0, s21;
	[sflag:s23] =	ssyncset.done $0x0  }
0xa2: {  	[sflag:s23] =	ssyncadd.s32 s6;
	_ =	sdelay $0x1  }
0xa3: {  	s24 =	simm.s32 $0x1B8B  }
0xa4: {  	_ =	swait.ge [sflag:s24], $0x1  }
0xa5: {  	[sflag:s24] =	ssyncset.done $0x0  }
0xa6: {  	s25 =	simm.s32 $0x1B8E;
	[sflag:s24] =	ssyncadd.s32 $0xFFFFFFFF  }
0xa7: {  	s26 =	simm.s32 $execute0_lowered;
	[smem:$0x3FD2] =	sst s25  }
0xa8: {  	s6 =	sshll.u32 s26, $0x1;
	_ =	strace $0x80000046;
	[dreg:$0x1] =	wrdreg $0xFFFFFFFF  }
0xa9: {  	s28 =	simm.s32 $_size_execute0_lowered;
	s5 =	sadd.s32 s5, s6;
	[dreg:$0x0] =	wrdreg $0x0  }
0xaa: {  	s6 =	sshll.u32 s28, $0x1;
	[dreg:$0x2] =	wrdreg s5  }
0xab: {  	[dreg:$0x3] =	wrdreg s6  }
0xac: {  	[dreg:$0x4] =	wrdreg $0xC0  }
0xad: {  	_ =	task [dreg:s9], $0x5FFFF  }
0xae: {  	[dreg:$0x1] =	wrdreg $0xFFFFFFFF  }
0xaf: {  	[dreg:$0x0] =	wrdreg $0x60  }
0xb0: {  	[dreg:$0x2] =	wrdreg s2  }
0xb1: {  	[dreg:$0x3] =	wrdreg s19  }
0xb2: {  	[dreg:$0x4] =	wrdreg s4  }
0xb3: {  	[dreg:$0x5] =	wrdreg $0x9  }
0xb4: {  	_ =	task.clear_ibuf [dreg:s9], $0x6FFFF;
	_ =	strace $0x90000046  }
0xb5: {  	s29 =	simm.s32 $0x9;
	_ =	strace $0x80000048  }
0xb6: {  	_ =	swait.ge [sflag:s29], $0x1  }
0xb7: {  	[sflag:s29] =	ssyncadd.s32 $0xFFFFFFFF  }
0xb8: {  	_ =	strace $0x90000048  }
0xb9: {  	_ =	sfence  }
0xba: {  	s30 =	sld [smem:$0x0];
	_ =	sdelay $0x2  }
0xbb: {  	s31 =	sshll.u32 s1, $0xD;
	s1 =	sshrl.u32 s1, $0x2  }
0xbc: {  	s3 =	sand.u32 $0x4000, s31;
	s1 =	sadd.s32 s1, s30  }
0xbd: {  	s0 =	sor.u32 s3, s0;
	s1 =	sshll.u32 s1, $0x11  }
0xbe: {  	s0 =	sor.u32 s1, s0  }
0xbf: {  	s0 =	sadd.s32 $0x8F2B, s0  }
0xc0: {  	[sflag:s0] =	ssyncadd.remote.s32 $0x1  }
0xc1: {  	_ =	sfence.sel $0xFFFF  }
0xc2: {  	[dreg:$0x0] =	wrdreg $0xFFFFFFFF;
	(pc) =	sbr.abs _section_cstart, $3  }
0xc3: {  	[dreg:$0x1] =	wrdreg $0xFFFFFFFF  }
0xc4: {  	_ =	task.clear_ibuf [dreg:s9], $0x2FFFF;
	_ =	strace $0x9FFFFFFF  }
0xc5: {  	(tm) =	ssettm $0x7FFFFFFF  }
tec
execute0_lowered:
.L_overlay_start_1:
0x0: {  	(tag) =	ssettag $0x1  }
0x1: {  	s0 =	rddreg [dreg:$0x0]  }
0x2: {  	s2 =	rddreg [dreg:$0x1]  }
0x3: {  	s1 =	rddreg [dreg:$0x2]  }
0x4: {  	s3 =	srdreg.scid;
	s8 =	stileid.u32;
	s12 =	simm.s32 $0x80  }
0x5: {  	s13 =	simm.s32 $0x1C00;
	s14 =	simm.s32 $0x5C00;
	s16 =	simm.s32 $0x9C00  }
0x6: {  	s18 =	simm.s32 $0xDC00;
	s22 =	simm.s32 $0x15C00;
	s28 =	simm.s32 $0x8  }
0x7: {  	s29 =	simm.s32 $0x4;
	s30 =	simm.s32 $0x6;
	s31 =	simm.s32 $0xE  }
0x8: {  	s10 =	simm.s32 $0xD;
	s15 =	simm.s32 $0x0;
	s7 =	sand.u32 $0x1, s3  }
0x9: {  	s3 =	simm.s32 $0x0;
	s4 =	sshll.u32 s8, $0x8;
	s8 =	sshll.u32 s8, $0xC  }
0xa: {  	s5 =	sshll.u32 s7, $0x7;
	[smem:$0x7FF] =	sst s3;
	s6 =	ssub.s32 $0x2, s7  }
0xb: {  	s25 =	sadd.s32 s8, s1;
	s26 =	sshll.u32 s7, $0xB;
	s4 =	sor.u32 s5, s4  }
.Ltmp0:
0xc: {  	_ =	strace $0x80000047;
	s23 =	sshrl.u32 s6, $0x1;
	(pc) =	sbr.rel .LBB2_1-.Ltmp0, $4  }
0xd: {  	s7 =	sadd.s32 s26, s25;
	s25 =	simm.s32 $0x2;
	s4 =	sadd.s32 s0, s4  }
0xe: {  	s24 =	ssub.s32 s6, s23;
	[dreg:$0x4] =	wrdreg s4;
	s4 =	sadd.s32 $0x6000, s4  }
0xf: {  	s26 =	simm.s32 $0x3;
	s0 =	smax.u32 s24, $0x1;
	[dreg:$0x5] =	wrdreg s4  }
0x10: {  	s23 =	simm.s32 $0x19C00;
	s24 =	simm.s32 $0x1;
	[dreg:$0x6] =	wrdreg s0  }
.LBB2_9:
0x11: {  	s0 =	simm.s32 $0x9  }
0x12: {  	_ =	swait.ge [sflag:s0], $0x4000  }
0x13: {  	[sflag:s0] =	ssyncset.done $0x0  }
0x14: {  	s17 =	simm.s32 $0xA;
	[sflag:s0] =	ssyncadd.s32 $0xFFFFC000  }
0x15: {  	_ =	swait.ge [sflag:s17], $0x4000  }
0x16: {  	[sflag:s17] =	ssyncset.done $0x0  }
0x17: {  	s19 =	simm.s32 $0xB;
	[sflag:s17] =	ssyncadd.s32 $0xFFFFC000  }
0x18: {  	_ =	swait.ge [sflag:s19], $0x4000  }
0x19: {  	[sflag:s19] =	ssyncset.done $0x0  }
0x1a: {  	s20 =	simm.s32 $0xC;
	[sflag:s19] =	ssyncadd.s32 $0xFFFFC000  }
0x1b: {  	_ =	swait.ge [sflag:s20], $0x4000  }
0x1c: {  	[sflag:s20] =	ssyncset.done $0x0  }
0x1d: {  	[sflag:s20] =	ssyncadd.s32 $0xFFFFC000  }
0x1e: {  	_ =	swait.ge [sflag:s10], $0x4000  }
0x1f: {  	[sflag:s10] =	ssyncset.done $0x0  }
0x20: {  	[sflag:s10] =	ssyncadd.s32 $0xFFFFC000  }
0x21: {  	_ =	swait.ge [sflag:s31], $0x4000  }
0x22: {  	[sflag:s31] =	ssyncset.done $0x0  }
0x23: {  	[sflag:s31] =	ssyncadd.s32 $0xFFFFC000  }
0x24: {  	_ =	swait.ge [sflag:s28], $0x4000  }
0x25: {  	s15 =	sadd.s32 $0x1, s15;
	s21 =	rddreg [dreg:$0x6]  }
0x26: {  	p0 =	sne.s32 s15, s21  }
.Ltmp1:
0x27: {  	_ = 	snop;
	(pc) =	sbr.rel @!p0 .LBB2_10-.Ltmp1, $3  }
0x28: {  	_ =	sdelay $0x1  }
0x29: {  	[sflag:s28] =	ssyncset.done $0x0  }
0x2a: {  	[sflag:s28] =	ssyncadd.s32 $0xFFFFC000  }
.LBB2_1:
0x2b: {  	s0 =	rddreg [dreg:$0x4];
	s1 =	simm.s32 $0x400;
	s4 =	simm.s32 $0x8000  }
0x2c: {  	[tilespmem:s3], [sflag:$0xF] =	stream.strided.gather [hbm4b:s0+s1], $0x1800, s4, s1, $0x38;
	[tilespmem:$0x1DC00] =	vst v63  }
0x2d: {  	s6 =	rddreg [dreg:$0x5];
	s8 =	simm.s32 $0x1800;
	s9 =	simm.s32 $0xF  }
0x2e: {  	[tilespmem:s8], [sflag:$0xF] =	stream.linear.gather [hbm4b:s6+s3], $0x100, $0x38;
	[tilespmem:$0x1DC00] =	vst v63  }
0x2f: {  	_ =	swait.ge [sflag:s9], $0x1900  }
0x30: {  	[sflag:s9] =	ssyncset.done $0x0  }
0x31: {  	[sflag:s9] =	ssyncadd.s32 $0xFFFFE700  }
0x32: {  	[tilespmem:s13], [sflag:$0x1] =	stream.indirect.gather [hbm4b:s2+s12], $0x80, s3, s12, $0xb8;
	[tilespmem:$0x1DC00] =	vst v63  }
0x33: {  	_ = 	snop  }
0x34: {  	[tilespmem:s14], [sflag:$0x2] =	stream.indirect.gather [hbm4b:s2+s12], $0x80, s12, s12, $0xb8;
	[tilespmem:$0x1DC00] =	vst v63  }
0x35: {  	s11 =	simm.s32 $0x100  }
0x36: {  	[tilespmem:s16], [sflag:$0x3] =	stream.indirect.gather [hbm4b:s2+s12], $0x80, s11, s12, $0xb8;
	[tilespmem:$0x1DC00] =	vst v63  }
0x37: {  	s17 =	simm.s32 $0x180  }
0x38: {  	[tilespmem:s18], [sflag:$0x4] =	stream.indirect.gather [hbm4b:s2+s12], $0x80, s17, s12, $0xb8;
	[tilespmem:$0x1DC00] =	vst v63  }
0x39: {  	s19 =	simm.s32 $0x200;
	s20 =	simm.s32 $0x11C00  }
0x3a: {  	[tilespmem:s20], [sflag:$0x5] =	stream.indirect.gather [hbm4b:s2+s12], $0x80, s19, s12, $0xb8;
	[tilespmem:$0x1DC00] =	vst v63  }
.Ltmp2:
0x3b: {  	_ = 	snop;
	(pc) =	sbr.rel .LBB2_2-.Ltmp2, $4  }
0x3c: {  	s21 =	simm.s32 $0x280  }
0x3d: {  	[tilespmem:s22], [sflag:$0x6] =	stream.indirect.gather [hbm4b:s2+s12], $0x80, s21, s12, $0xb8;
	[tilespmem:$0x1DC00] =	vst v63  }
0x3e: {  	s17 =	simm.s32 $0x300;
	s19 =	simm.s32 $0x0;
	s20 =	simm.s32 $0x0  }
0x3f: {  	[tilespmem:s23], [sflag:$0x7] =	stream.indirect.gather [hbm4b:s2+s12], $0x80, s17, s12, $0xb8;
	[tilespmem:$0x1DC00] =	vst v63  }
.LBB2_8:
0x40: {  	_ =	swait.ge [sflag:s26], $0x4000  }
0x41: {  	[sflag:s26] =	ssyncset.done $0x0  }
0x42: {  	s5 =	sadd.s32 $0x20000, s21;
	[sflag:s26] =	ssyncadd.s32 $0xFFFFC000  }
0x43: {  	[hbm4b:s5+s3] =	stream.linear.scatter [tilespmem:s16], [sflag:$0xA], $0x4000, $0x38;
	[tilespmem:$0x1DC00] =	vst v63  }
0x44: {  	_ =	swait.ge [sflag:s28], $0x4000  }
0x45: {  	[sflag:s28] =	ssyncset.done $0x0  }
0x46: {  	s9 =	sadd.s32 $0x80, s17;
	[sflag:s28] =	ssyncadd.s32 $0xFFFFC000  }
0x47: {  	[tilespmem:s13], [sflag:$0x1] =	stream.indirect.gather [hbm4b:s2+s12], $0x80, s9, s12, $0xb8;
	[tilespmem:$0x1DC00] =	vst v63  }
0x48: {  	_ =	swait.ge [sflag:s29], $0x4000  }
0x49: {  	p0 =	sgt.u32 s20, $0x5;
	[sflag:s29] =	ssyncset.done $0x0  }
0x4a: {  	s11 =	sadd.s32 $0x30000, s21;
	s5 =	simm.s32 @p0 $0x5;
	[sflag:s29] =	ssyncadd.s32 $0xFFFFC000  }
0x4b: {  	[hbm4b:s11+s3] =	stream.linear.scatter [tilespmem:s18], [sflag:$0xB], $0x4000, $0x38;
	[tilespmem:$0x1DC00] =	vst v63  }
0x4c: {  	_ =	swait.ge @p0 [sflag:s5], $0x4000  }
0x4d: {  	[sflag:s5] =	ssyncset.done @p0 $0x0  }
0x4e: {  	[sflag:s5] =	ssyncadd.s32 @p0 $0xFFFFC000;
	s5 =	sadd.s32 @p0 s19, s7  }
0x4f: {  	s4 =	simm.s32 @p0 $0x0;
	s11 =	simm.s32 @p0 $0x11C00;
	s6 =	sadd.s32 @p0 $0x40000, s5  }
0x50: {  	[hbm4b:s6+s4] =	stream.linear.scatter @p0 [tilespmem:s11], [sflag:$0xC], $0x4000, $0x38;
	[tilespmem:$0x1DC00] =	vst v63  }
0x51: {  	s6 =	simm.s32 @!p0 $0x9  }
0x52: {  	_ =	swait.ge @!p0 [sflag:s6], $0x4000  }
0x53: {  	s0 =	simm.s32 @!p0 $0x5C00;
	[sflag:s6] =	ssyncset.done @!p0 $0x0  }
0x54: {  	s11 =	simm.s32 @!p0 $0x80;
	[sflag:s6] =	ssyncadd.s32 @!p0 $0xFFFFC000;
	s6 =	sadd.s32 @!p0 $0x100, s17  }
0x55: {  	[tilespmem:s0], [sflag:$0x2] =	stream.indirect.gather @!p0 [hbm4b:s2+s11], $0x80, s6, s11, $0xb8;
	[tilespmem:$0x1DC00] =	vst v63  }
0x56: {  	s0 =	simm.s32 @!p0 $0x5  }
0x57: {  	_ =	swait.ge @!p0 [sflag:s0], $0x4000  }
0x58: {  	[sflag:s0] =	ssyncset.done @!p0 $0x0  }
0x59: {  	[sflag:s0] =	ssyncadd.s32 @!p0 $0xFFFFC000;
	s0 =	sadd.s32 @!p0 s19, s7  }
0x5a: {  	s1 =	simm.s32 @!p0 $0x0;
	s8 =	simm.s32 @!p0 $0x11C00;
	s6 =	sadd.s32 @!p0 $0x40000, s0  }
0x5b: {  	[hbm4b:s6+s1] =	stream.linear.scatter @!p0 [tilespmem:s8], [sflag:$0xC], $0x4000, $0x38;
	[tilespmem:$0x1DC00] =	vst v63  }
0x5c: {  	s6 =	simm.s32 @!p0 $0xA  }
0x5d: {  	_ =	swait.ge @!p0 [sflag:s6], $0x4000  }
0x5e: {  	[sflag:s6] =	ssyncset.done @!p0 $0x0  }
0x5f: {  	s9 =	simm.s32 @!p0 $0x9C00;
	[sflag:s6] =	ssyncadd.s32 @!p0 $0xFFFFC000;
	s6 =	sadd.s32 @!p0 $0x180, s17  }
0x60: {  	[tilespmem:s9], [sflag:$0x3] =	stream.indirect.gather @!p0 [hbm4b:s2+s11], $0x80, s6, s11, $0xb8;
	[tilespmem:$0x1DC00] =	vst v63  }
0x61: {  	_ =	swait.ge [sflag:s30], $0x4000  }
0x62: {  	[sflag:s30] =	ssyncset.done $0x0  }
0x63: {  	s21 =	sadd.s32 $0x50000, s21;
	s6 =	simm.s32 @p0 $0x7;
	[sflag:s30] =	ssyncadd.s32 $0xFFFFC000  }
0x64: {  	[hbm4b:s21+s3] =	stream.linear.scatter [tilespmem:s22], [sflag:$0xD], $0x4000, $0x38;
	[tilespmem:$0x1DC00] =	vst v63  }
0x65: {  	_ =	swait.ge @p0 [sflag:s6], $0x4000  }
0x66: {  	[sflag:s6] =	ssyncset.done @p0 $0x0  }
0x67: {  	s5 =	sadd.s32 @p0 $0x60000, s5;
	[sflag:s6] =	ssyncadd.s32 @p0 $0xFFFFC000;
	s6 =	simm.s32 @p0 $0x19C00  }
0x68: {  	[hbm4b:s5+s4] =	stream.linear.scatter @p0 [tilespmem:s6], [sflag:$0xE], $0x4000, $0x38;
	[tilespmem:$0x1DC00] =	vst v63  }
0x69: {  	s4 =	simm.s32 @!p0 $0xB  }
0x6a: {  	_ =	swait.ge @!p0 [sflag:s4], $0x4000  }
0x6b: {  	[sflag:s4] =	ssyncset.done @!p0 $0x0  }
0x6c: {  	s5 =	simm.s32 @!p0 $0xDC00;
	[sflag:s4] =	ssyncadd.s32 @!p0 $0xFFFFC000;
	s4 =	sadd.s32 @!p0 $0x200, s17  }
0x6d: {  	[tilespmem:s5], [sflag:$0x4] =	stream.indirect.gather @!p0 [hbm4b:s2+s11], $0x80, s4, s11, $0xb8;
	[tilespmem:$0x1DC00] =	vst v63  }
0x6e: {  	s4 =	simm.s32 @!p0 $0x7  }
0x6f: {  	_ =	swait.ge @!p0 [sflag:s4], $0x4000  }
0x70: {  	[sflag:s4] =	ssyncset.done @!p0 $0x0  }
0x71: {  	s0 =	sadd.s32 @!p0 $0x60000, s0;
	[sflag:s4] =	ssyncadd.s32 @!p0 $0xFFFFC000;
	s4 =	simm.s32 @!p0 $0x19C00  }
0x72: {  	[hbm4b:s0+s1] =	stream.linear.scatter @!p0 [tilespmem:s4], [sflag:$0xE], $0x4000, $0x38;
	[tilespmem:$0x1DC00] =	vst v63  }
0x73: {  	s0 =	simm.s32 @!p0 $0xC  }
0x74: {  	_ =	swait.ge @!p0 [sflag:s0], $0x4000  }
0x75: {  	[sflag:s0] =	ssyncset.done @!p0 $0x0  }
0x76: {  	s19 =	sadd.s32 $0x70000, s19;
	[sflag:s0] =	ssyncadd.s32 @!p0 $0xFFFFC000;
	s0 =	sadd.s32 @!p0 $0x280, s17  }
0x77: {  	[tilespmem:s8], [sflag:$0x5] =	stream.indirect.gather @!p0 [hbm4b:s2+s11], $0x80, s0, s11, $0xb8;
	[tilespmem:$0x1DC00] =	vst v63  }
0x78: {  	p0 =	sne.s32 s19, $0x380000  }
.Ltmp3:
0x79: {  	_ = 	snop;
	(pc) =	sbr.rel @!p0 .LBB2_9-.Ltmp3, $2  }
0x7a: {  	_ =	sdelay $0x2  }
0x7b: {  	s20 =	sadd.s32 $0x1, s20;
	s17 =	sadd.s32 $0x380, s17  }
.LBB2_2:
0x7c: {  	p0 =	seq.s32 s20, $0x0  }
.Ltmp4:
0x7d: {  	_ = 	snop;
	(pc) =	sbr.rel @p0 .LBB2_5-.Ltmp4, $4  }
0x7e: {  	_ =	swait.ge [sflag:s24], $0x4000  }
0x7f: {  	[sflag:s24] =	ssyncset.done $0x0  }
0x80: {  	s21 =	sadd.s32 s19, s7;
	[sflag:s24] =	ssyncadd.s32 $0xFFFFC000  }
0x81: {  	[hbm4b:s21+s3] =	stream.linear.scatter [tilespmem:s13], [sflag:$0x8], $0x4000, $0x38;
	[tilespmem:$0x1DC00] =	vst v63  }
0x82: {  	p1 =	seq.s32 s20, $0x7  }
.Ltmp5:
0x83: {  	_ = 	snop;
	(pc) =	sbr.rel @p1 .LBB2_9-.Ltmp5, $1  }
0x84: {  	_ =	sdelay $0x3  }
0x85: {  	_ =	swait.ge [sflag:s10], $0x4000  }
0x86: {  	[sflag:s10] =	ssyncset.done $0x0  }
0x87: {  	s5 =	sadd.s32 $0xFFFFFF80, s17;
	[sflag:s10] =	ssyncadd.s32 $0xFFFFC000  }
0x88: {  	[tilespmem:s22], [sflag:$0x6] =	stream.indirect.gather [hbm4b:s2+s12], $0x80, s5, s12, $0xb8;
	[tilespmem:$0x1DC00] =	vst v63  }
.LBB2_5:
.Ltmp6:
0x89: {  	(pc) =	sbr.rel @p0 .LBB2_8-.Ltmp6, $4  }
0x8a: {  	_ =	swait.ge [sflag:s25], $0x4000  }
0x8b: {  	[sflag:s25] =	ssyncset.done $0x0  }
0x8c: {  	s5 =	sadd.s32 $0x10000, s21;
	[sflag:s25] =	ssyncadd.s32 $0xFFFFC000  }
0x8d: {  	[hbm4b:s5+s3] =	stream.linear.scatter [tilespmem:s14], [sflag:$0x9], $0x4000, $0x38;
	[tilespmem:$0x1DC00] =	vst v63  }
0x8e: {  	p0 =	seq.s32 s20, $0x7  }
.Ltmp7:
0x8f: {  	_ = 	snop;
	(pc) =	sbr.rel @p0 .LBB2_9-.Ltmp7, $1  }
0x90: {  	_ =	sdelay $0x3  }
.Ltmp8:
0x91: {  	(pc) =	sbr.rel .LBB2_8-.Ltmp8, $4  }
0x92: {  	_ =	swait.ge [sflag:s31], $0x4000  }
0x93: {  	[sflag:s31] =	ssyncset.done $0x0  }
0x94: {  	[sflag:s31] =	ssyncadd.s32 $0xFFFFC000  }
0x95: {  	[tilespmem:s23], [sflag:$0x7] =	stream.indirect.gather [hbm4b:s2+s12], $0x80, s17, s12, $0xb8;
	[tilespmem:$0x1DC00] =	vst v63  }
.LBB2_10:
0x96: {  	_ =	sfence.sel $0x180000  }
0x97: {  	[bflag:$0x0] =	sbarrier.arrive $0xFFFF  }
0x98: {  	_ =	strace $0x90000047  }
0x99: {  	s0 =	stileid.u32;
	[bflag:$0x2] =	sbarrier.arrive $0xFFFF  }
0x9a: {  	p0 =	sne.s32 s0, $0x0;
	s0 =	rddreg [dreg:$0x3]  }
0x9b: {  	s0 =	sadd.s32 @!p0 $0x100000, s0  }
0x9c: {  	[sflag:s0] =	ssyncadd.tile.s32 @!p0 $0x1;
	_ =	shalt  }
.Lfunc_end2:
_tile_overlayer_lowered:
.L_overlay_start_2:
0x9d: {  	(tag) =	ssettag $0x2  }
0x9e: {  	s0 =	rddreg [dreg:$0x0];
	s2 =	stileid.u32  }
0x9f: {  	s1 =	rddreg [dreg:$0x1];
	p0 =	sne.s32 s2, $0x0  }
0xa0: {  	s3 =	rddreg [dreg:$0x2];
	[bflag:$0x3] =	sbarrier.arrive $0xFFFF;
	s2 =	simm.s32 @!p0 $0x1C0F  }
0xa1: {  	[timem:s3], [sflag:s2] =	dma.local @!p0 [hbm:s0], s1  }
0xa2: {  	s0 =	simm.s32 @!p0 $0xF  }
0xa3: {  	_ =	swait.ge @!p0 [sflag:s0], s1  }
0xa4: {  	s1 =	ssub.s32 @!p0 $0x0, s1;
	[sflag:s0] =	ssyncset.done @!p0 $0x0  }
0xa5: {  	[sflag:s0] =	ssyncadd.s32 @!p0 s1  }
0xa6: {  	[bflag:$0x3] =	sbarrier.arrive $0xFFFF  }
0xa7: {  	_ =	shalt  }

</sc_bundles>
